<compile_context>
chip_gen: v7x
topology: tpu7x:2x2x1
jax: 0.10.2.dev20260603
libtpu: 0.0.44.dev20260713+nightly
codegen_flags: <defaults>
</compile_context>

<pallas_src>
import functools

import jax
import jax.numpy as jnp
from jax import lax
from jax.experimental import pallas as pl
from jax.experimental.pallas import tpu as pltpu
from jax.experimental.pallas import tpu_sc as plsc

NC = 2
NS = 16
CHUNK = 125
NBUF = 4


def _make_sc_aggregate(n_pad, dh, n_chunks):
    rows_per_sub = n_pad // NS

    @functools.partial(
        pl.kernel,
        out_type=(
            jax.ShapeDtypeStruct((n_pad, dh), jnp.float32),
            jax.ShapeDtypeStruct((n_pad, dh), jnp.float32),
            jax.ShapeDtypeStruct((n_pad, 16), jnp.float32),
            jax.ShapeDtypeStruct((n_pad, 16), jnp.float32),
        ),
        mesh=plsc.VectorSubcoreMesh(
            core_axis_name="c", subcore_axis_name="s",
            num_cores=NC, num_subcores=NS),
        scratch_types=[
            pltpu.VMEM((n_chunks, CHUNK), jnp.int32),
            pltpu.VMEM((n_chunks, CHUNK), jnp.int32),
            [pltpu.VMEM((CHUNK, dh), jnp.float32)] * NBUF,
            pltpu.VMEM((CHUNK, 16), jnp.float32),
            pltpu.VMEM_SHARED((n_pad, dh), jnp.float32),
            pltpu.VMEM_SHARED((n_pad, 16), jnp.float32),
            pltpu.SemaphoreType.DMA,
            pltpu.SemaphoreType.DMA,
            pltpu.SemaphoreType.DMA,
        ],
        compiler_params=pltpu.CompilerParams(use_tc_tiling_on_sc=False),
    )
    def sc_aggregate(xl_hbm, xr_hbm, src_hbm, dst_hbm, zag_hbm, zcnt_hbm,
                     ones_hbm, agg0_out, agg1_out, cnt0_out, cnt1_out,
                     src_v, dst_v, rows_ring, ones_v, agg_sh, cnt_sh,
                     sem_g, sem_a, sem_c):
        c = lax.axis_index("c")
        s = lax.axis_index("s")
        rslice = pl.ds(s * rows_per_sub, rows_per_sub)

        pltpu.sync_copy(zag_hbm, agg_sh.at[rslice])
        pltpu.sync_copy(zcnt_hbm, cnt_sh.at[rslice])
        pltpu.sync_copy(ones_hbm, ones_v)
        pltpu.sync_copy(src_hbm.at[s], src_v)
        pltpu.sync_copy(dst_hbm.at[s], dst_v)
        plsc.subcore_barrier()

        def start_gather(j, buf):
            @pl.when(c == 0)
            def _():
                pltpu.async_copy(xl_hbm.at[src_v.at[j]], buf, sem_g)

            @pl.when(c == 1)
            def _():
                pltpu.async_copy(xr_hbm.at[src_v.at[j]], buf, sem_g)

        def wait_gather(buf):
            pltpu.make_async_copy(xl_hbm.at[src_v.at[0]], buf, sem_g).wait()

        def wait_scatter(buf):
            pltpu.make_async_copy(xl_hbm.at[src_v.at[0]], buf, sem_a).wait()

        def half_step(j, buf_cur, buf_next):
            wait_gather(buf_cur)
            pltpu.async_copy(buf_cur, agg_sh.at[dst_v.at[j]], sem_a, add=True)

            @pl.when(lax.rem(j, 2) == c)
            def _():
                pltpu.async_copy(ones_v, cnt_sh.at[dst_v.at[j]], sem_c,
                                 add=True)

            @pl.when(j >= 1)
            def _():
                wait_scatter(buf_next)

            @pl.when(j + NBUF - 1 < n_chunks)
            def _():
                start_gather(j + NBUF - 1, buf_next)

        for b in range(NBUF - 1):
            start_gather(b, rows_ring[b])

        def chunk_step(jg, carry):
            for b in range(NBUF):
                half_step(NBUF * jg + b, rows_ring[b],
                          rows_ring[(b + NBUF - 1) % NBUF])
            return carry

        lax.fori_loop(0, n_chunks // NBUF, chunk_step, 0)

        wait_scatter(rows_ring[0])

        def drain_cnt(i, carry):
            pltpu.make_async_copy(ones_hbm, ones_v, sem_c).wait()
            return carry

        lax.fori_loop(0, n_chunks // 2, drain_cnt, 0)
        plsc.subcore_barrier()

        @pl.when(c == 0)
        def _():
            pltpu.sync_copy(agg_sh.at[rslice], agg0_out.at[rslice])
            pltpu.sync_copy(cnt_sh.at[rslice], cnt0_out.at[rslice])

        @pl.when(c == 1)
        def _():
            pltpu.sync_copy(agg_sh.at[rslice], agg1_out.at[rslice])
            pltpu.sync_copy(cnt_sh.at[rslice], cnt1_out.at[rslice])

    return sc_aggregate


def _tc_combine_body(p0, p1, c0, c1, x, wl, wr, b, o):
    dh = p0.shape[1]
    cnt = c0[:, 0:1] + c1[:, 0:1]
    recip = 1.0 / jnp.maximum(cnt, 1.0)
    mean_l = p0[...] * recip
    mean_r = p1[...] * recip
    out = (jnp.dot(mean_l, wl[:dh, :], preferred_element_type=jnp.float32)
           + jnp.dot(mean_r, wl[dh:, :], preferred_element_type=jnp.float32)
           + jnp.dot(x[...], wr[...], preferred_element_type=jnp.float32)
           + b[...])
    o[...] = jnp.maximum(out, 0.0)


def _tc_combine(p0, p1, c0, c1, x, wl, wr, b):
    n, d = x.shape
    dh = d // 2
    blk = 1000
    grid = n // blk
    return pl.pallas_call(
        _tc_combine_body,
        grid=(grid,),
        in_specs=[
            pl.BlockSpec((blk, dh), lambda i: (i, 0)),
            pl.BlockSpec((blk, dh), lambda i: (i, 0)),
            pl.BlockSpec((blk, 16), lambda i: (i, 0)),
            pl.BlockSpec((blk, 16), lambda i: (i, 0)),
            pl.BlockSpec((blk, d), lambda i: (i, 0)),
            pl.BlockSpec((d, d), lambda i: (0, 0)),
            pl.BlockSpec((d, d), lambda i: (0, 0)),
            pl.BlockSpec((1, d), lambda i: (0, 0)),
        ],
        out_specs=pl.BlockSpec((blk, d), lambda i: (i, 0)),
        out_shape=jax.ShapeDtypeStruct((n, d), jnp.float32),
    )(p0, p1, c0, c1, x, wl, wr, b)


def kernel(x, edge_index, W_l, W_r, b):
    n, d = x.shape
    dh = d // 2
    n_edges = edge_index.shape[1]
    edges_per_sub = n_edges // NS
    n_chunks = edges_per_sub // CHUNK
    align = NS * 8
    n_pad = ((n + align - 1) // align) * align
    rows_per_sub = n_pad // NS

    ei = edge_index.astype(jnp.int32)
    src = ei[0].reshape(NS, n_chunks, CHUNK)
    dst = ei[1].reshape(NS, n_chunks, CHUNK)
    xl = x[:, :dh]
    xr = x[:, dh:]
    zag = jnp.zeros((rows_per_sub, dh), jnp.float32)
    zcnt = jnp.zeros((rows_per_sub, 16), jnp.float32)
    ones = jnp.ones((CHUNK, 16), jnp.float32)

    agg0, agg1, cnt0, cnt1 = _make_sc_aggregate(n_pad, dh, n_chunks)(
        xl, xr, src, dst, zag, zcnt, ones)
    return _tc_combine(agg0, agg1, cnt0, cnt1, x, W_l, W_r, b.reshape(1, d))

# --- scband reference (transcript-rebuilt; emitter-appended) ---
"""Pipeline reference for scband-sagelayer-3212635537936 (READ-ONLY COPY).

The authoritative reference and input builder live on the scoring server;
editing this copy changes nothing except your own understanding.
"""

import jax, jax.numpy as jnp
import numpy as np

N_NODES = 10000
N_EDGES = 320000
D_IN = 128
D_OUT = 128


def setup_inputs(seed: int = 0) -> dict:
    key = jax.random.key(seed)
    k1, k2, k3, k4, k5 = jax.random.split(key, 5)
    x = jax.random.normal(k1, (N_NODES, D_IN), dtype=jnp.float32)
    edge_index = jax.random.randint(k2, (2, N_EDGES), 0, N_NODES, dtype=jnp.int64)
    # SAGEConv params: lin_l applied to aggregated neighbor features, lin_r to root.
    scale = 1.0 / np.sqrt(D_IN)
    W_l = jax.random.uniform(k3, (D_IN, D_OUT), dtype=jnp.float32, minval=-scale, maxval=scale)
    W_r = jax.random.uniform(k4, (D_IN, D_OUT), dtype=jnp.float32, minval=-scale, maxval=scale)
    b = jax.random.uniform(k5, (D_OUT,), dtype=jnp.float32, minval=-scale, maxval=scale)
    return {"x": x, "edge_index": edge_index, "W_l": W_l, "W_r": W_r, "b": b}


def reference(x, edge_index, W_l, W_r, b):
    # SAGEConv (mean aggregation): out = lin_l(mean_{j in N(i)} x_j) + lin_r(x_i)
    src = edge_index[0]
    dst = edge_index[1]
    n = x.shape[0]
    msg = jnp.take(x, src, axis=0)                      # gather source node feats
    agg = jax.ops.segment_sum(msg, dst, num_segments=n) # scatter-add to dst
    cnt = jax.ops.segment_sum(jnp.ones((msg.shape[0], 1), dtype=x.dtype), dst, num_segments=n)
    mean = agg / jnp.maximum(cnt, 1.0)
    out = mean @ W_l + x @ W_r + b
    out = jax.nn.relu(out)
    # nn.Dropout in eval mode is identity; reference is deterministic (eval).
    return out

if __name__ == "__main__":
    import jax
    _d = setup_inputs()
    print(jax.jit(kernel)(*tuple(_d.values())))

</pallas_src>

<mosaic_0001>
#map = affine_map<(d0, d1) -> (0, 0)>
#map1 = affine_map<(d0, d1) -> (0, 0, 0)>
module attributes {stable_mosaic.version = 14 : i64} {
  func.func @sc_aggregate(%arg0: i32, %arg1: i32, %arg2: memref<10000x64xf32, #tpu.memory_space<hbm>>, %arg3: memref<10000x64xf32, #tpu.memory_space<hbm>>, %arg4: memref<16x160x125xi32, #tpu.memory_space<hbm>>, %arg5: memref<16x160x125xi32, #tpu.memory_space<hbm>>, %arg6: memref<632x64xf32, #tpu.memory_space<hbm>>, %arg7: memref<632x16xf32, #tpu.memory_space<hbm>>, %arg8: memref<125x16xf32, #tpu.memory_space<hbm>>, %arg9: memref<10112x64xf32, #tpu.memory_space<hbm>>, %arg10: memref<10112x64xf32, #tpu.memory_space<hbm>>, %arg11: memref<10112x16xf32, #tpu.memory_space<hbm>>, %arg12: memref<10112x16xf32, #tpu.memory_space<hbm>>, %arg13: memref<160x125xi32, #tpu.memory_space<vmem>>, %arg14: memref<160x125xi32, #tpu.memory_space<vmem>>, %arg15: memref<125x64xf32, #tpu.memory_space<vmem>>, %arg16: memref<125x64xf32, #tpu.memory_space<vmem>>, %arg17: memref<125x64xf32, #tpu.memory_space<vmem>>, %arg18: memref<125x64xf32, #tpu.memory_space<vmem>>, %arg19: memref<125x16xf32, #tpu.memory_space<vmem>>, %arg20: memref<10112x64xf32, #tpu.memory_space<vmem_shared>>, %arg21: memref<10112x16xf32, #tpu.memory_space<vmem_shared>>, %arg22: memref<!tpu.dma_semaphore, #tpu.memory_space<semaphore_mem>>, %arg23: memref<!tpu.dma_semaphore, #tpu.memory_space<semaphore_mem>>, %arg24: memref<!tpu.dma_semaphore, #tpu.memory_space<semaphore_mem>>) attributes {dimension_semantics = [#tpu.dimension_semantics<core_parallel>, #tpu.dimension_semantics<subcore_parallel>], iteration_bounds = array<i64: 2, 16>, scalar_prefetch = 0 : i64, scratch_operands = 12 : i64, tpu.core_type = #tpu.core_type<sc_vector_subcore>, window_params = [{transform_indices = #map}, {transform_indices = #map}, {transform_indices = #map1}, {transform_indices = #map1}, {transform_indices = #map}, {transform_indices = #map}, {transform_indices = #map}, {transform_indices = #map}, {transform_indices = #map}, {transform_indices = #map}, {transform_indices = #map}]} {
    %mul3A = arith.constant 632 : i32
    %mul3A_0 = arith.muli %arg1, %mul3A : i32
    "tpu.region"() ({
      %run_scoped3A = tpu.sem_alloc : memref<!tpu.dma_semaphore, #tpu.memory_space<semaphore_mem>>
      %dma_start3A = arith.constant 0 : i32
      %dma_start3A_56 = tpu.memref_slice %arg20[%mul3A_0, %dma_start3A] : memref<10112x64xf32, #tpu.memory_space<vmem_shared>> -> memref<632x64xf32, #tpu.memory_space<vmem_shared>>
      tpu.enqueue_dma source(%arg6 : memref<632x64xf32, #tpu.memory_space<hbm>>) target(%dma_start3A_56 : memref<632x64xf32, #tpu.memory_space<vmem_shared>>) target_semaphore(%run_scoped3A : memref<!tpu.dma_semaphore, #tpu.memory_space<semaphore_mem>>)
      %dma_wait3A_57 = arith.constant 0 : i32
      %dma_wait3A_58 = tpu.memref_slice %arg20[%mul3A_0, %dma_wait3A_57] : memref<10112x64xf32, #tpu.memory_space<vmem_shared>> -> memref<632x64xf32, #tpu.memory_space<vmem_shared>>
      tpu.wait_dma2 semaphore(%run_scoped3A : memref<!tpu.dma_semaphore, #tpu.memory_space<semaphore_mem>>) src(%arg6 : memref<632x64xf32, #tpu.memory_space<hbm>>) dst(%dma_wait3A_58 : memref<632x64xf32, #tpu.memory_space<vmem_shared>>)
      tpu.yield
    }) : () -> ()
    "tpu.region"() ({
      %run_scoped3A = tpu.sem_alloc : memref<!tpu.dma_semaphore, #tpu.memory_space<semaphore_mem>>
      %dma_start3A = arith.constant 0 : i32
      %dma_start3A_56 = tpu.memref_slice %arg21[%mul3A_0, %dma_start3A] : memref<10112x16xf32, #tpu.memory_space<vmem_shared>> -> memref<632x16xf32, #tpu.memory_space<vmem_shared>>
      tpu.enqueue_dma source(%arg7 : memref<632x16xf32, #tpu.memory_space<hbm>>) target(%dma_start3A_56 : memref<632x16xf32, #tpu.memory_space<vmem_shared>>) target_semaphore(%run_scoped3A : memref<!tpu.dma_semaphore, #tpu.memory_space<semaphore_mem>>)
      %dma_wait3A_57 = arith.constant 0 : i32
      %dma_wait3A_58 = tpu.memref_slice %arg21[%mul3A_0, %dma_wait3A_57] : memref<10112x16xf32, #tpu.memory_space<vmem_shared>> -> memref<632x16xf32, #tpu.memory_space<vmem_shared>>
      tpu.wait_dma2 semaphore(%run_scoped3A : memref<!tpu.dma_semaphore, #tpu.memory_space<semaphore_mem>>) src(%arg7 : memref<632x16xf32, #tpu.memory_space<hbm>>) dst(%dma_wait3A_58 : memref<632x16xf32, #tpu.memory_space<vmem_shared>>)
      tpu.yield
    }) : () -> ()
    "tpu.region"() ({
      %run_scoped3A = tpu.sem_alloc : memref<!tpu.dma_semaphore, #tpu.memory_space<semaphore_mem>>
      tpu.enqueue_dma source(%arg8 : memref<125x16xf32, #tpu.memory_space<hbm>>) target(%arg19 : memref<125x16xf32, #tpu.memory_space<vmem>>) target_semaphore(%run_scoped3A : memref<!tpu.dma_semaphore, #tpu.memory_space<semaphore_mem>>)
      tpu.wait_dma2 semaphore(%run_scoped3A : memref<!tpu.dma_semaphore, #tpu.memory_space<semaphore_mem>>) src(%arg8 : memref<125x16xf32, #tpu.memory_space<hbm>>) dst(%arg19 : memref<125x16xf32, #tpu.memory_space<vmem>>)
      tpu.yield
    }) : () -> ()
    "tpu.region"() ({
      %run_scoped3A = tpu.sem_alloc : memref<!tpu.dma_semaphore, #tpu.memory_space<semaphore_mem>>
      %dma_start3A = arith.constant 0 : i32
      %dma_start3A_56 = arith.constant 0 : i32
      %dma_start3A_57 = tpu.memref_slice %arg4[%arg1, %dma_start3A, %dma_start3A_56] : memref<16x160x125xi32, #tpu.memory_space<hbm>> -> memref<1x160x125xi32, #tpu.memory_space<hbm>>
      %dma_start3A_58 = tpu.memref_squeeze %dma_start3A_57 : memref<1x160x125xi32, #tpu.memory_space<hbm>> -> memref<160x125xi32, #tpu.memory_space<hbm>>
      %dma_start3A_59 = arith.constant 0 : i32
      %dma_start3A_60 = arith.constant 0 : i32
      %dma_start3A_61 = tpu.memref_slice %arg4[%arg1, %dma_start3A_59, %dma_start3A_60] : memref<16x160x125xi32, #tpu.memory_space<hbm>> -> memref<1x160x125xi32, #tpu.memory_space<hbm>>
      %dma_start3A_62 = tpu.memref_squeeze %dma_start3A_61 : memref<1x160x125xi32, #tpu.memory_space<hbm>> -> memref<160x125xi32, #tpu.memory_space<hbm>>
      tpu.enqueue_dma source(%dma_start3A_62 : memref<160x125xi32, #tpu.memory_space<hbm>>) target(%arg13 : memref<160x125xi32, #tpu.memory_space<vmem>>) target_semaphore(%run_scoped3A : memref<!tpu.dma_semaphore, #tpu.memory_space<semaphore_mem>>)
      %dma_wait3A_63 = arith.constant 0 : i32
      %dma_wait3A_64 = arith.constant 0 : i32
      %dma_wait3A_65 = tpu.memref_slice %arg4[%arg1, %dma_wait3A_63, %dma_wait3A_64] : memref<16x160x125xi32, #tpu.memory_space<hbm>> -> memref<1x160x125xi32, #tpu.memory_space<hbm>>
      %dma_wait3A_66 = tpu.memref_squeeze %dma_wait3A_65 : memref<1x160x125xi32, #tpu.memory_space<hbm>> -> memref<160x125xi32, #tpu.memory_space<hbm>>
      %dma_wait3A_67 = arith.constant 0 : i32
      %dma_wait3A_68 = arith.constant 0 : i32
      %dma_wait3A_69 = tpu.memref_slice %arg4[%arg1, %dma_wait3A_67, %dma_wait3A_68] : memref<16x160x125xi32, #tpu.memory_space<hbm>> -> memref<1x160x125xi32, #tpu.memory_space<hbm>>
      %dma_wait3A_70 = tpu.memref_squeeze %dma_wait3A_69 : memref<1x160x125xi32, #tpu.memory_space<hbm>> -> memref<160x125xi32, #tpu.memory_space<hbm>>
      tpu.wait_dma2 semaphore(%run_scoped3A : memref<!tpu.dma_semaphore, #tpu.memory_space<semaphore_mem>>) src(%dma_wait3A_70 : memref<160x125xi32, #tpu.memory_space<hbm>>) dst(%arg13 : memref<160x125xi32, #tpu.memory_space<vmem>>)
      tpu.yield
    }) : () -> ()
    "tpu.region"() ({
      %run_scoped3A = tpu.sem_alloc : memref<!tpu.dma_semaphore, #tpu.memory_space<semaphore_mem>>
      %dma_start3A = arith.constant 0 : i32
      %dma_start3A_56 = arith.constant 0 : i32
      %dma_start3A_57 = tpu.memref_slice %arg5[%arg1, %dma_start3A, %dma_start3A_56] : memref<16x160x125xi32, #tpu.memory_space<hbm>> -> memref<1x160x125xi32, #tpu.memory_space<hbm>>
      %dma_start3A_58 = tpu.memref_squeeze %dma_start3A_57 : memref<1x160x125xi32, #tpu.memory_space<hbm>> -> memref<160x125xi32, #tpu.memory_space<hbm>>
      %dma_start3A_59 = arith.constant 0 : i32
      %dma_start3A_60 = arith.constant 0 : i32
      %dma_start3A_61 = tpu.memref_slice %arg5[%arg1, %dma_start3A_59, %dma_start3A_60] : memref<16x160x125xi32, #tpu.memory_space<hbm>> -> memref<1x160x125xi32, #tpu.memory_space<hbm>>
      %dma_start3A_62 = tpu.memref_squeeze %dma_start3A_61 : memref<1x160x125xi32, #tpu.memory_space<hbm>> -> memref<160x125xi32, #tpu.memory_space<hbm>>
      tpu.enqueue_dma source(%dma_start3A_62 : memref<160x125xi32, #tpu.memory_space<hbm>>) target(%arg14 : memref<160x125xi32, #tpu.memory_space<vmem>>) target_semaphore(%run_scoped3A : memref<!tpu.dma_semaphore, #tpu.memory_space<semaphore_mem>>)
      %dma_wait3A_63 = arith.constant 0 : i32
      %dma_wait3A_64 = arith.constant 0 : i32
      %dma_wait3A_65 = tpu.memref_slice %arg5[%arg1, %dma_wait3A_63, %dma_wait3A_64] : memref<16x160x125xi32, #tpu.memory_space<hbm>> -> memref<1x160x125xi32, #tpu.memory_space<hbm>>
      %dma_wait3A_66 = tpu.memref_squeeze %dma_wait3A_65 : memref<1x160x125xi32, #tpu.memory_space<hbm>> -> memref<160x125xi32, #tpu.memory_space<hbm>>
      %dma_wait3A_67 = arith.constant 0 : i32
      %dma_wait3A_68 = arith.constant 0 : i32
      %dma_wait3A_69 = tpu.memref_slice %arg5[%arg1, %dma_wait3A_67, %dma_wait3A_68] : memref<16x160x125xi32, #tpu.memory_space<hbm>> -> memref<1x160x125xi32, #tpu.memory_space<hbm>>
      %dma_wait3A_70 = tpu.memref_squeeze %dma_wait3A_69 : memref<1x160x125xi32, #tpu.memory_space<hbm>> -> memref<160x125xi32, #tpu.memory_space<hbm>>
      tpu.wait_dma2 semaphore(%run_scoped3A : memref<!tpu.dma_semaphore, #tpu.memory_space<semaphore_mem>>) src(%dma_wait3A_70 : memref<160x125xi32, #tpu.memory_space<hbm>>) dst(%arg14 : memref<160x125xi32, #tpu.memory_space<vmem>>)
      tpu.yield
    }) : () -> ()
    %barrier3A = arith.constant 0 : index
    tpu.barrier barrier_id(%barrier3A)
    %eq3A = arith.constant 0 : i32
    %eq3A_1 = arith.cmpi eq, %arg0, %eq3A : i32
    %convert_element_type3A = arith.extui %eq3A_1 : i1 to i32
    %cond3A = arith.constant 0 : i32
    %cond3A_2 = arith.cmpi ne, %convert_element_type3A, %cond3A : i32
    scf.if %cond3A_2 {
      %dma_start3A = arith.constant 0 : i32
      %dma_start3A_56 = arith.constant 0 : i32
      %dma_start3A_57 = tpu.memref_slice %arg13[%dma_start3A, %dma_start3A_56] : memref<160x125xi32, #tpu.memory_space<vmem>> -> memref<1x125xi32, #tpu.memory_space<vmem>>
      %dma_start3A_58 = tpu.memref_squeeze %dma_start3A_57 : memref<1x125xi32, #tpu.memory_space<vmem>> -> memref<125xi32, #tpu.memory_space<vmem>>
      %dma_start3A_59 = arith.constant 0 : i32
      %dma_start3A_60 = arith.constant 0 : i32
      %dma_start3A_61 = tpu.memref_slice %arg2[%dma_start3A_59, %dma_start3A_60] : memref<10000x64xf32, #tpu.memory_space<hbm>> -> memref<10000x64xf32, #tpu.memory_space<hbm>>
      tpu.enqueue_indirect_dma source(%dma_start3A_61 : memref<10000x64xf32, #tpu.memory_space<hbm>>) target(%arg15 : memref<125x64xf32, #tpu.memory_space<vmem>>) offsets(%dma_start3A_58 : memref<125xi32, #tpu.memory_space<vmem>>) semaphore(%arg22 : memref<!tpu.dma_semaphore, #tpu.memory_space<semaphore_mem>>)
    } else {
    }
    %eq3A_3 = arith.constant 1 : i32
    %eq3A_4 = arith.cmpi eq, %arg0, %eq3A_3 : i32
    %convert_element_type3A_5 = arith.extui %eq3A_4 : i1 to i32
    %cond3A_6 = arith.constant 0 : i32
    %cond3A_7 = arith.cmpi ne, %convert_element_type3A_5, %cond3A_6 : i32
    scf.if %cond3A_7 {
      %dma_start3A = arith.constant 0 : i32
      %dma_start3A_56 = arith.constant 0 : i32
      %dma_start3A_57 = tpu.memref_slice %arg13[%dma_start3A, %dma_start3A_56] : memref<160x125xi32, #tpu.memory_space<vmem>> -> memref<1x125xi32, #tpu.memory_space<vmem>>
      %dma_start3A_58 = tpu.memref_squeeze %dma_start3A_57 : memref<1x125xi32, #tpu.memory_space<vmem>> -> memref<125xi32, #tpu.memory_space<vmem>>
      %dma_start3A_59 = arith.constant 0 : i32
      %dma_start3A_60 = arith.constant 0 : i32
      %dma_start3A_61 = tpu.memref_slice %arg3[%dma_start3A_59, %dma_start3A_60] : memref<10000x64xf32, #tpu.memory_space<hbm>> -> memref<10000x64xf32, #tpu.memory_space<hbm>>
      tpu.enqueue_indirect_dma source(%dma_start3A_61 : memref<10000x64xf32, #tpu.memory_space<hbm>>) target(%arg15 : memref<125x64xf32, #tpu.memory_space<vmem>>) offsets(%dma_start3A_58 : memref<125xi32, #tpu.memory_space<vmem>>) semaphore(%arg22 : memref<!tpu.dma_semaphore, #tpu.memory_space<semaphore_mem>>)
    } else {
    }
    %eq3A_8 = arith.constant 0 : i32
    %eq3A_9 = arith.cmpi eq, %arg0, %eq3A_8 : i32
    %convert_element_type3A_10 = arith.extui %eq3A_9 : i1 to i32
    %cond3A_11 = arith.constant 0 : i32
    %cond3A_12 = arith.cmpi ne, %convert_element_type3A_10, %cond3A_11 : i32
    scf.if %cond3A_12 {
      %dma_start3A = arith.constant 1 : i32
      %dma_start3A_56 = arith.constant 0 : i32
      %dma_start3A_57 = tpu.memref_slice %arg13[%dma_start3A, %dma_start3A_56] : memref<160x125xi32, #tpu.memory_space<vmem>> -> memref<1x125xi32, #tpu.memory_space<vmem>>
      %dma_start3A_58 = tpu.memref_squeeze %dma_start3A_57 : memref<1x125xi32, #tpu.memory_space<vmem>> -> memref<125xi32, #tpu.memory_space<vmem>>
      %dma_start3A_59 = arith.constant 0 : i32
      %dma_start3A_60 = arith.constant 0 : i32
      %dma_start3A_61 = tpu.memref_slice %arg2[%dma_start3A_59, %dma_start3A_60] : memref<10000x64xf32, #tpu.memory_space<hbm>> -> memref<10000x64xf32, #tpu.memory_space<hbm>>
      tpu.enqueue_indirect_dma source(%dma_start3A_61 : memref<10000x64xf32, #tpu.memory_space<hbm>>) target(%arg16 : memref<125x64xf32, #tpu.memory_space<vmem>>) offsets(%dma_start3A_58 : memref<125xi32, #tpu.memory_space<vmem>>) semaphore(%arg22 : memref<!tpu.dma_semaphore, #tpu.memory_space<semaphore_mem>>)
    } else {
    }
    %eq3A_13 = arith.constant 1 : i32
    %eq3A_14 = arith.cmpi eq, %arg0, %eq3A_13 : i32
    %convert_element_type3A_15 = arith.extui %eq3A_14 : i1 to i32
    %cond3A_16 = arith.constant 0 : i32
    %cond3A_17 = arith.cmpi ne, %convert_element_type3A_15, %cond3A_16 : i32
    scf.if %cond3A_17 {
      %dma_start3A = arith.constant 1 : i32
      %dma_start3A_56 = arith.constant 0 : i32
      %dma_start3A_57 = tpu.memref_slice %arg13[%dma_start3A, %dma_start3A_56] : memref<160x125xi32, #tpu.memory_space<vmem>> -> memref<1x125xi32, #tpu.memory_space<vmem>>
      %dma_start3A_58 = tpu.memref_squeeze %dma_start3A_57 : memref<1x125xi32, #tpu.memory_space<vmem>> -> memref<125xi32, #tpu.memory_space<vmem>>
      %dma_start3A_59 = arith.constant 0 : i32
      %dma_start3A_60 = arith.constant 0 : i32
      %dma_start3A_61 = tpu.memref_slice %arg3[%dma_start3A_59, %dma_start3A_60] : memref<10000x64xf32, #tpu.memory_space<hbm>> -> memref<10000x64xf32, #tpu.memory_space<hbm>>
      tpu.enqueue_indirect_dma source(%dma_start3A_61 : memref<10000x64xf32, #tpu.memory_space<hbm>>) target(%arg16 : memref<125x64xf32, #tpu.memory_space<vmem>>) offsets(%dma_start3A_58 : memref<125xi32, #tpu.memory_space<vmem>>) semaphore(%arg22 : memref<!tpu.dma_semaphore, #tpu.memory_space<semaphore_mem>>)
    } else {
    }
    %eq3A_18 = arith.constant 0 : i32
    %eq3A_19 = arith.cmpi eq, %arg0, %eq3A_18 : i32
    %convert_element_type3A_20 = arith.extui %eq3A_19 : i1 to i32
    %cond3A_21 = arith.constant 0 : i32
    %cond3A_22 = arith.cmpi ne, %convert_element_type3A_20, %cond3A_21 : i32
    scf.if %cond3A_22 {
      %dma_start3A = arith.constant 2 : i32
      %dma_start3A_56 = arith.constant 0 : i32
      %dma_start3A_57 = tpu.memref_slice %arg13[%dma_start3A, %dma_start3A_56] : memref<160x125xi32, #tpu.memory_space<vmem>> -> memref<1x125xi32, #tpu.memory_space<vmem>>
      %dma_start3A_58 = tpu.memref_squeeze %dma_start3A_57 : memref<1x125xi32, #tpu.memory_space<vmem>> -> memref<125xi32, #tpu.memory_space<vmem>>
      %dma_start3A_59 = arith.constant 0 : i32
      %dma_start3A_60 = arith.constant 0 : i32
      %dma_start3A_61 = tpu.memref_slice %arg2[%dma_start3A_59, %dma_start3A_60] : memref<10000x64xf32, #tpu.memory_space<hbm>> -> memref<10000x64xf32, #tpu.memory_space<hbm>>
      tpu.enqueue_indirect_dma source(%dma_start3A_61 : memref<10000x64xf32, #tpu.memory_space<hbm>>) target(%arg17 : memref<125x64xf32, #tpu.memory_space<vmem>>) offsets(%dma_start3A_58 : memref<125xi32, #tpu.memory_space<vmem>>) semaphore(%arg22 : memref<!tpu.dma_semaphore, #tpu.memory_space<semaphore_mem>>)
    } else {
    }
    %eq3A_23 = arith.constant 1 : i32
    %eq3A_24 = arith.cmpi eq, %arg0, %eq3A_23 : i32
    %convert_element_type3A_25 = arith.extui %eq3A_24 : i1 to i32
    %cond3A_26 = arith.constant 0 : i32
    %cond3A_27 = arith.cmpi ne, %convert_element_type3A_25, %cond3A_26 : i32
    scf.if %cond3A_27 {
      %dma_start3A = arith.constant 2 : i32
      %dma_start3A_56 = arith.constant 0 : i32
      %dma_start3A_57 = tpu.memref_slice %arg13[%dma_start3A, %dma_start3A_56] : memref<160x125xi32, #tpu.memory_space<vmem>> -> memref<1x125xi32, #tpu.memory_space<vmem>>
      %dma_start3A_58 = tpu.memref_squeeze %dma_start3A_57 : memref<1x125xi32, #tpu.memory_space<vmem>> -> memref<125xi32, #tpu.memory_space<vmem>>
      %dma_start3A_59 = arith.constant 0 : i32
      %dma_start3A_60 = arith.constant 0 : i32
      %dma_start3A_61 = tpu.memref_slice %arg3[%dma_start3A_59, %dma_start3A_60] : memref<10000x64xf32, #tpu.memory_space<hbm>> -> memref<10000x64xf32, #tpu.memory_space<hbm>>
      tpu.enqueue_indirect_dma source(%dma_start3A_61 : memref<10000x64xf32, #tpu.memory_space<hbm>>) target(%arg17 : memref<125x64xf32, #tpu.memory_space<vmem>>) offsets(%dma_start3A_58 : memref<125xi32, #tpu.memory_space<vmem>>) semaphore(%arg22 : memref<!tpu.dma_semaphore, #tpu.memory_space<semaphore_mem>>)
    } else {
    }
    %scan3A = arith.constant 0 : i32
    %scan3A_28 = arith.constant 0 : i32
    %scan3A_29 = arith.constant 40 : i32
    %scan3A_30 = arith.addi %scan3A_28, %scan3A_29 : i32
    %scan3A_31 = arith.constant 1 : i32
    scf.for %scan3A_56 = %scan3A_28 to %scan3A_30 step %scan3A_31  : i32 {
      %mul3A_57 = arith.constant 4 : i32
      %mul3A_58 = arith.muli %mul3A_57, %scan3A_56 : i32
      %add3A = arith.constant 0 : i32
      %add3A_59 = arith.addi %mul3A_58, %add3A : i32
      %dma_wait3A_60 = arith.constant 0 : i32
      %dma_wait3A_61 = arith.constant 0 : i32
      %dma_wait3A_62 = tpu.memref_slice %arg13[%dma_wait3A_60, %dma_wait3A_61] : memref<160x125xi32, #tpu.memory_space<vmem>> -> memref<1x125xi32, #tpu.memory_space<vmem>>
      %dma_wait3A_63 = tpu.memref_squeeze %dma_wait3A_62 : memref<1x125xi32, #tpu.memory_space<vmem>> -> memref<125xi32, #tpu.memory_space<vmem>>
      %dma_wait3A_64 = arith.constant 0 : i32
      %dma_wait3A_65 = arith.constant 0 : i32
      %dma_wait3A_66 = tpu.memref_slice %arg2[%dma_wait3A_64, %dma_wait3A_65] : memref<10000x64xf32, #tpu.memory_space<hbm>> -> memref<10000x64xf32, #tpu.memory_space<hbm>>
      tpu.wait_indirect_dma semaphore(%arg22 : memref<!tpu.dma_semaphore, #tpu.memory_space<semaphore_mem>>) src(%dma_wait3A_66 : memref<10000x64xf32, #tpu.memory_space<hbm>>) dst(%arg15 : memref<125x64xf32, #tpu.memory_space<vmem>>)
      %dma_start3A = arith.constant 0 : i32
      %dma_start3A_67 = tpu.memref_slice %arg14[%add3A_59, %dma_start3A] : memref<160x125xi32, #tpu.memory_space<vmem>> -> memref<1x125xi32, #tpu.memory_space<vmem>>
      %dma_start3A_68 = tpu.memref_squeeze %dma_start3A_67 : memref<1x125xi32, #tpu.memory_space<vmem>> -> memref<125xi32, #tpu.memory_space<vmem>>
      %dma_start3A_69 = arith.constant 0 : i32
      %dma_start3A_70 = arith.constant 0 : i32
      %dma_start3A_71 = tpu.memref_slice %arg20[%dma_start3A_69, %dma_start3A_70] : memref<10112x64xf32, #tpu.memory_space<vmem_shared>> -> memref<10112x64xf32, #tpu.memory_space<vmem_shared>>
      tpu.enqueue_indirect_dma source(%arg15 : memref<125x64xf32, #tpu.memory_space<vmem>>) target(%dma_start3A_71 : memref<10112x64xf32, #tpu.memory_space<vmem_shared>>) offsets(%dma_start3A_68 : memref<125xi32, #tpu.memory_space<vmem>>) semaphore(%arg23 : memref<!tpu.dma_semaphore, #tpu.memory_space<semaphore_mem>>) {add = true}
      %rem3A = arith.constant 2 : i32
      %rem3A_72 = arith.remsi %add3A_59, %rem3A : i32
      %eq3A_73 = arith.cmpi eq, %rem3A_72, %arg0 : i32
      %convert_element_type3A_74 = arith.extui %eq3A_73 : i1 to i32
      %cond3A_75 = arith.constant 0 : i32
      %cond3A_76 = arith.cmpi ne, %convert_element_type3A_74, %cond3A_75 : i32
      scf.if %cond3A_76 {
        %dma_start3A_199 = arith.constant 0 : i32
        %dma_start3A_200 = tpu.memref_slice %arg14[%add3A_59, %dma_start3A_199] : memref<160x125xi32, #tpu.memory_space<vmem>> -> memref<1x125xi32, #tpu.memory_space<vmem>>
        %dma_start3A_201 = tpu.memref_squeeze %dma_start3A_200 : memref<1x125xi32, #tpu.memory_space<vmem>> -> memref<125xi32, #tpu.memory_space<vmem>>
        %dma_start3A_202 = arith.constant 0 : i32
        %dma_start3A_203 = arith.constant 0 : i32
        %dma_start3A_204 = tpu.memref_slice %arg21[%dma_start3A_202, %dma_start3A_203] : memref<10112x16xf32, #tpu.memory_space<vmem_shared>> -> memref<10112x16xf32, #tpu.memory_space<vmem_shared>>
        tpu.enqueue_indirect_dma source(%arg19 : memref<125x16xf32, #tpu.memory_space<vmem>>) target(%dma_start3A_204 : memref<10112x16xf32, #tpu.memory_space<vmem_shared>>) offsets(%dma_start3A_201 : memref<125xi32, #tpu.memory_space<vmem>>) semaphore(%arg24 : memref<!tpu.dma_semaphore, #tpu.memory_space<semaphore_mem>>) {add = true}
      } else {
      }
      %ge3A = arith.constant 1 : i32
      %ge3A_77 = arith.cmpi sge, %add3A_59, %ge3A : i32
      %convert_element_type3A_78 = arith.extui %ge3A_77 : i1 to i32
      %cond3A_79 = arith.constant 0 : i32
      %cond3A_80 = arith.cmpi ne, %convert_element_type3A_78, %cond3A_79 : i32
      scf.if %cond3A_80 {
        %dma_wait3A_199 = arith.constant 0 : i32
        %dma_wait3A_200 = arith.constant 0 : i32
        %dma_wait3A_201 = tpu.memref_slice %arg13[%dma_wait3A_199, %dma_wait3A_200] : memref<160x125xi32, #tpu.memory_space<vmem>> -> memref<1x125xi32, #tpu.memory_space<vmem>>
        %dma_wait3A_202 = tpu.memref_squeeze %dma_wait3A_201 : memref<1x125xi32, #tpu.memory_space<vmem>> -> memref<125xi32, #tpu.memory_space<vmem>>
        %dma_wait3A_203 = arith.constant 0 : i32
        %dma_wait3A_204 = arith.constant 0 : i32
        %dma_wait3A_205 = tpu.memref_slice %arg2[%dma_wait3A_203, %dma_wait3A_204] : memref<10000x64xf32, #tpu.memory_space<hbm>> -> memref<10000x64xf32, #tpu.memory_space<hbm>>
        tpu.wait_indirect_dma semaphore(%arg23 : memref<!tpu.dma_semaphore, #tpu.memory_space<semaphore_mem>>) src(%dma_wait3A_205 : memref<10000x64xf32, #tpu.memory_space<hbm>>) dst(%arg18 : memref<125x64xf32, #tpu.memory_space<vmem>>)
      } else {
      }
      %add3A_81 = arith.constant 4 : i32
      %add3A_82 = arith.addi %add3A_59, %add3A_81 : i32
      %sub3A = arith.constant 1 : i32
      %sub3A_83 = arith.subi %add3A_82, %sub3A : i32
      %lt3A = arith.constant 160 : i32
      %lt3A_84 = arith.cmpi slt, %sub3A_83, %lt3A : i32
      %convert_element_type3A_85 = arith.extui %lt3A_84 : i1 to i32
      %cond3A_86 = arith.constant 0 : i32
      %cond3A_87 = arith.cmpi ne, %convert_element_type3A_85, %cond3A_86 : i32
      scf.if %cond3A_87 {
        %add3A_199 = arith.constant 4 : i32
        %add3A_200 = arith.addi %add3A_59, %add3A_199 : i32
        %sub3A_201 = arith.constant 1 : i32
        %sub3A_202 = arith.subi %add3A_200, %sub3A_201 : i32
        %eq3A_203 = arith.constant 0 : i32
        %eq3A_204 = arith.cmpi eq, %arg0, %eq3A_203 : i32
        %convert_element_type3A_205 = arith.extui %eq3A_204 : i1 to i32
        %cond3A_206 = arith.constant 0 : i32
        %cond3A_207 = arith.cmpi ne, %convert_element_type3A_205, %cond3A_206 : i32
        scf.if %cond3A_207 {
          %dma_start3A_213 = arith.constant 0 : i32
          %dma_start3A_214 = tpu.memref_slice %arg13[%sub3A_202, %dma_start3A_213] : memref<160x125xi32, #tpu.memory_space<vmem>> -> memref<1x125xi32, #tpu.memory_space<vmem>>
          %dma_start3A_215 = tpu.memref_squeeze %dma_start3A_214 : memref<1x125xi32, #tpu.memory_space<vmem>> -> memref<125xi32, #tpu.memory_space<vmem>>
          %dma_start3A_216 = arith.constant 0 : i32
          %dma_start3A_217 = arith.constant 0 : i32
          %dma_start3A_218 = tpu.memref_slice %arg2[%dma_start3A_216, %dma_start3A_217] : memref<10000x64xf32, #tpu.memory_space<hbm>> -> memref<10000x64xf32, #tpu.memory_space<hbm>>
          tpu.enqueue_indirect_dma source(%dma_start3A_218 : memref<10000x64xf32, #tpu.memory_space<hbm>>) target(%arg18 : memref<125x64xf32, #tpu.memory_space<vmem>>) offsets(%dma_start3A_215 : memref<125xi32, #tpu.memory_space<vmem>>) semaphore(%arg22 : memref<!tpu.dma_semaphore, #tpu.memory_space<semaphore_mem>>)
        } else {
        }
        %eq3A_208 = arith.constant 1 : i32
        %eq3A_209 = arith.cmpi eq, %arg0, %eq3A_208 : i32
        %convert_element_type3A_210 = arith.extui %eq3A_209 : i1 to i32
        %cond3A_211 = arith.constant 0 : i32
        %cond3A_212 = arith.cmpi ne, %convert_element_type3A_210, %cond3A_211 : i32
        scf.if %cond3A_212 {
          %dma_start3A_213 = arith.constant 0 : i32
          %dma_start3A_214 = tpu.memref_slice %arg13[%sub3A_202, %dma_start3A_213] : memref<160x125xi32, #tpu.memory_space<vmem>> -> memref<1x125xi32, #tpu.memory_space<vmem>>
          %dma_start3A_215 = tpu.memref_squeeze %dma_start3A_214 : memref<1x125xi32, #tpu.memory_space<vmem>> -> memref<125xi32, #tpu.memory_space<vmem>>
          %dma_start3A_216 = arith.constant 0 : i32
          %dma_start3A_217 = arith.constant 0 : i32
          %dma_start3A_218 = tpu.memref_slice %arg3[%dma_start3A_216, %dma_start3A_217] : memref<10000x64xf32, #tpu.memory_space<hbm>> -> memref<10000x64xf32, #tpu.memory_space<hbm>>
          tpu.enqueue_indirect_dma source(%dma_start3A_218 : memref<10000x64xf32, #tpu.memory_space<hbm>>) target(%arg18 : memref<125x64xf32, #tpu.memory_space<vmem>>) offsets(%dma_start3A_215 : memref<125xi32, #tpu.memory_space<vmem>>) semaphore(%arg22 : memref<!tpu.dma_semaphore, #tpu.memory_space<semaphore_mem>>)
        } else {
        }
      } else {
      }
      %mul3A_88 = arith.constant 4 : i32
      %mul3A_89 = arith.muli %mul3A_88, %scan3A_56 : i32
      %add3A_90 = arith.constant 1 : i32
      %add3A_91 = arith.addi %mul3A_89, %add3A_90 : i32
      %dma_wait3A_92 = arith.constant 0 : i32
      %dma_wait3A_93 = arith.constant 0 : i32
      %dma_wait3A_94 = tpu.memref_slice %arg13[%dma_wait3A_92, %dma_wait3A_93] : memref<160x125xi32, #tpu.memory_space<vmem>> -> memref<1x125xi32, #tpu.memory_space<vmem>>
      %dma_wait3A_95 = tpu.memref_squeeze %dma_wait3A_94 : memref<1x125xi32, #tpu.memory_space<vmem>> -> memref<125xi32, #tpu.memory_space<vmem>>
      %dma_wait3A_96 = arith.constant 0 : i32
      %dma_wait3A_97 = arith.constant 0 : i32
      %dma_wait3A_98 = tpu.memref_slice %arg2[%dma_wait3A_96, %dma_wait3A_97] : memref<10000x64xf32, #tpu.memory_space<hbm>> -> memref<10000x64xf32, #tpu.memory_space<hbm>>
      tpu.wait_indirect_dma semaphore(%arg22 : memref<!tpu.dma_semaphore, #tpu.memory_space<semaphore_mem>>) src(%dma_wait3A_98 : memref<10000x64xf32, #tpu.memory_space<hbm>>) dst(%arg16 : memref<125x64xf32, #tpu.memory_space<vmem>>)
      %dma_start3A_99 = arith.constant 0 : i32
      %dma_start3A_100 = tpu.memref_slice %arg14[%add3A_91, %dma_start3A_99] : memref<160x125xi32, #tpu.memory_space<vmem>> -> memref<1x125xi32, #tpu.memory_space<vmem>>
      %dma_start3A_101 = tpu.memref_squeeze %dma_start3A_100 : memref<1x125xi32, #tpu.memory_space<vmem>> -> memref<125xi32, #tpu.memory_space<vmem>>
      %dma_start3A_102 = arith.constant 0 : i32
      %dma_start3A_103 = arith.constant 0 : i32
      %dma_start3A_104 = tpu.memref_slice %arg20[%dma_start3A_102, %dma_start3A_103] : memref<10112x64xf32, #tpu.memory_space<vmem_shared>> -> memref<10112x64xf32, #tpu.memory_space<vmem_shared>>
      tpu.enqueue_indirect_dma source(%arg16 : memref<125x64xf32, #tpu.memory_space<vmem>>) target(%dma_start3A_104 : memref<10112x64xf32, #tpu.memory_space<vmem_shared>>) offsets(%dma_start3A_101 : memref<125xi32, #tpu.memory_space<vmem>>) semaphore(%arg23 : memref<!tpu.dma_semaphore, #tpu.memory_space<semaphore_mem>>) {add = true}
      %rem3A_105 = arith.constant 2 : i32
      %rem3A_106 = arith.remsi %add3A_91, %rem3A_105 : i32
      %eq3A_107 = arith.cmpi eq, %rem3A_106, %arg0 : i32
      %convert_element_type3A_108 = arith.extui %eq3A_107 : i1 to i32
      %cond3A_109 = arith.constant 0 : i32
      %cond3A_110 = arith.cmpi ne, %convert_element_type3A_108, %cond3A_109 : i32
      scf.if %cond3A_110 {
        %dma_start3A_199 = arith.constant 0 : i32
        %dma_start3A_200 = tpu.memref_slice %arg14[%add3A_91, %dma_start3A_199] : memref<160x125xi32, #tpu.memory_space<vmem>> -> memref<1x125xi32, #tpu.memory_space<vmem>>
        %dma_start3A_201 = tpu.memref_squeeze %dma_start3A_200 : memref<1x125xi32, #tpu.memory_space<vmem>> -> memref<125xi32, #tpu.memory_space<vmem>>
        %dma_start3A_202 = arith.constant 0 : i32
        %dma_start3A_203 = arith.constant 0 : i32
        %dma_start3A_204 = tpu.memref_slice %arg21[%dma_start3A_202, %dma_start3A_203] : memref<10112x16xf32, #tpu.memory_space<vmem_shared>> -> memref<10112x16xf32, #tpu.memory_space<vmem_shared>>
        tpu.enqueue_indirect_dma source(%arg19 : memref<125x16xf32, #tpu.memory_space<vmem>>) target(%dma_start3A_204 : memref<10112x16xf32, #tpu.memory_space<vmem_shared>>) offsets(%dma_start3A_201 : memref<125xi32, #tpu.memory_space<vmem>>) semaphore(%arg24 : memref<!tpu.dma_semaphore, #tpu.memory_space<semaphore_mem>>) {add = true}
      } else {
      }
      %ge3A_111 = arith.constant 1 : i32
      %ge3A_112 = arith.cmpi sge, %add3A_91, %ge3A_111 : i32
      %convert_element_type3A_113 = arith.extui %ge3A_112 : i1 to i32
      %cond3A_114 = arith.constant 0 : i32
      %cond3A_115 = arith.cmpi ne, %convert_element_type3A_113, %cond3A_114 : i32
      scf.if %cond3A_115 {
        %dma_wait3A_199 = arith.constant 0 : i32
        %dma_wait3A_200 = arith.constant 0 : i32
        %dma_wait3A_201 = tpu.memref_slice %arg13[%dma_wait3A_199, %dma_wait3A_200] : memref<160x125xi32, #tpu.memory_space<vmem>> -> memref<1x125xi32, #tpu.memory_space<vmem>>
        %dma_wait3A_202 = tpu.memref_squeeze %dma_wait3A_201 : memref<1x125xi32, #tpu.memory_space<vmem>> -> memref<125xi32, #tpu.memory_space<vmem>>
        %dma_wait3A_203 = arith.constant 0 : i32
        %dma_wait3A_204 = arith.constant 0 : i32
        %dma_wait3A_205 = tpu.memref_slice %arg2[%dma_wait3A_203, %dma_wait3A_204] : memref<10000x64xf32, #tpu.memory_space<hbm>> -> memref<10000x64xf32, #tpu.memory_space<hbm>>
        tpu.wait_indirect_dma semaphore(%arg23 : memref<!tpu.dma_semaphore, #tpu.memory_space<semaphore_mem>>) src(%dma_wait3A_205 : memref<10000x64xf32, #tpu.memory_space<hbm>>) dst(%arg15 : memref<125x64xf32, #tpu.memory_space<vmem>>)
      } else {
      }
      %add3A_116 = arith.constant 4 : i32
      %add3A_117 = arith.addi %add3A_91, %add3A_116 : i32
      %sub3A_118 = arith.constant 1 : i32
      %sub3A_119 = arith.subi %add3A_117, %sub3A_118 : i32
      %lt3A_120 = arith.constant 160 : i32
      %lt3A_121 = arith.cmpi slt, %sub3A_119, %lt3A_120 : i32
      %convert_element_type3A_122 = arith.extui %lt3A_121 : i1 to i32
      %cond3A_123 = arith.constant 0 : i32
      %cond3A_124 = arith.cmpi ne, %convert_element_type3A_122, %cond3A_123 : i32
      scf.if %cond3A_124 {
        %add3A_199 = arith.constant 4 : i32
        %add3A_200 = arith.addi %add3A_91, %add3A_199 : i32
        %sub3A_201 = arith.constant 1 : i32
        %sub3A_202 = arith.subi %add3A_200, %sub3A_201 : i32
        %eq3A_203 = arith.constant 0 : i32
        %eq3A_204 = arith.cmpi eq, %arg0, %eq3A_203 : i32
        %convert_element_type3A_205 = arith.extui %eq3A_204 : i1 to i32
        %cond3A_206 = arith.constant 0 : i32
        %cond3A_207 = arith.cmpi ne, %convert_element_type3A_205, %cond3A_206 : i32
        scf.if %cond3A_207 {
          %dma_start3A_213 = arith.constant 0 : i32
          %dma_start3A_214 = tpu.memref_slice %arg13[%sub3A_202, %dma_start3A_213] : memref<160x125xi32, #tpu.memory_space<vmem>> -> memref<1x125xi32, #tpu.memory_space<vmem>>
          %dma_start3A_215 = tpu.memref_squeeze %dma_start3A_214 : memref<1x125xi32, #tpu.memory_space<vmem>> -> memref<125xi32, #tpu.memory_space<vmem>>
          %dma_start3A_216 = arith.constant 0 : i32
          %dma_start3A_217 = arith.constant 0 : i32
          %dma_start3A_218 = tpu.memref_slice %arg2[%dma_start3A_216, %dma_start3A_217] : memref<10000x64xf32, #tpu.memory_space<hbm>> -> memref<10000x64xf32, #tpu.memory_space<hbm>>
          tpu.enqueue_indirect_dma source(%dma_start3A_218 : memref<10000x64xf32, #tpu.memory_space<hbm>>) target(%arg15 : memref<125x64xf32, #tpu.memory_space<vmem>>) offsets(%dma_start3A_215 : memref<125xi32, #tpu.memory_space<vmem>>) semaphore(%arg22 : memref<!tpu.dma_semaphore, #tpu.memory_space<semaphore_mem>>)
        } else {
        }
        %eq3A_208 = arith.constant 1 : i32
        %eq3A_209 = arith.cmpi eq, %arg0, %eq3A_208 : i32
        %convert_element_type3A_210 = arith.extui %eq3A_209 : i1 to i32
        %cond3A_211 = arith.constant 0 : i32
        %cond3A_212 = arith.cmpi ne, %convert_element_type3A_210, %cond3A_211 : i32
        scf.if %cond3A_212 {
          %dma_start3A_213 = arith.constant 0 : i32
          %dma_start3A_214 = tpu.memref_slice %arg13[%sub3A_202, %dma_start3A_213] : memref<160x125xi32, #tpu.memory_space<vmem>> -> memref<1x125xi32, #tpu.memory_space<vmem>>
          %dma_start3A_215 = tpu.memref_squeeze %dma_start3A_214 : memref<1x125xi32, #tpu.memory_space<vmem>> -> memref<125xi32, #tpu.memory_space<vmem>>
          %dma_start3A_216 = arith.constant 0 : i32
          %dma_start3A_217 = arith.constant 0 : i32
          %dma_start3A_218 = tpu.memref_slice %arg3[%dma_start3A_216, %dma_start3A_217] : memref<10000x64xf32, #tpu.memory_space<hbm>> -> memref<10000x64xf32, #tpu.memory_space<hbm>>
          tpu.enqueue_indirect_dma source(%dma_start3A_218 : memref<10000x64xf32, #tpu.memory_space<hbm>>) target(%arg15 : memref<125x64xf32, #tpu.memory_space<vmem>>) offsets(%dma_start3A_215 : memref<125xi32, #tpu.memory_space<vmem>>) semaphore(%arg22 : memref<!tpu.dma_semaphore, #tpu.memory_space<semaphore_mem>>)
        } else {
        }
      } else {
      }
      %mul3A_125 = arith.constant 4 : i32
      %mul3A_126 = arith.muli %mul3A_125, %scan3A_56 : i32
      %add3A_127 = arith.constant 2 : i32
      %add3A_128 = arith.addi %mul3A_126, %add3A_127 : i32
      %dma_wait3A_129 = arith.constant 0 : i32
      %dma_wait3A_130 = arith.constant 0 : i32
      %dma_wait3A_131 = tpu.memref_slice %arg13[%dma_wait3A_129, %dma_wait3A_130] : memref<160x125xi32, #tpu.memory_space<vmem>> -> memref<1x125xi32, #tpu.memory_space<vmem>>
      %dma_wait3A_132 = tpu.memref_squeeze %dma_wait3A_131 : memref<1x125xi32, #tpu.memory_space<vmem>> -> memref<125xi32, #tpu.memory_space<vmem>>
      %dma_wait3A_133 = arith.constant 0 : i32
      %dma_wait3A_134 = arith.constant 0 : i32
      %dma_wait3A_135 = tpu.memref_slice %arg2[%dma_wait3A_133, %dma_wait3A_134] : memref<10000x64xf32, #tpu.memory_space<hbm>> -> memref<10000x64xf32, #tpu.memory_space<hbm>>
      tpu.wait_indirect_dma semaphore(%arg22 : memref<!tpu.dma_semaphore, #tpu.memory_space<semaphore_mem>>) src(%dma_wait3A_135 : memref<10000x64xf32, #tpu.memory_space<hbm>>) dst(%arg17 : memref<125x64xf32, #tpu.memory_space<vmem>>)
      %dma_start3A_136 = arith.constant 0 : i32
      %dma_start3A_137 = tpu.memref_slice %arg14[%add3A_128, %dma_start3A_136] : memref<160x125xi32, #tpu.memory_space<vmem>> -> memref<1x125xi32, #tpu.memory_space<vmem>>
      %dma_start3A_138 = tpu.memref_squeeze %dma_start3A_137 : memref<1x125xi32, #tpu.memory_space<vmem>> -> memref<125xi32, #tpu.memory_space<vmem>>
      %dma_start3A_139 = arith.constant 0 : i32
      %dma_start3A_140 = arith.constant 0 : i32
      %dma_start3A_141 = tpu.memref_slice %arg20[%dma_start3A_139, %dma_start3A_140] : memref<10112x64xf32, #tpu.memory_space<vmem_shared>> -> memref<10112x64xf32, #tpu.memory_space<vmem_shared>>
      tpu.enqueue_indirect_dma source(%arg17 : memref<125x64xf32, #tpu.memory_space<vmem>>) target(%dma_start3A_141 : memref<10112x64xf32, #tpu.memory_space<vmem_shared>>) offsets(%dma_start3A_138 : memref<125xi32, #tpu.memory_space<vmem>>) semaphore(%arg23 : memref<!tpu.dma_semaphore, #tpu.memory_space<semaphore_mem>>) {add = true}
      %rem3A_142 = arith.constant 2 : i32
      %rem3A_143 = arith.remsi %add3A_128, %rem3A_142 : i32
      %eq3A_144 = arith.cmpi eq, %rem3A_143, %arg0 : i32
      %convert_element_type3A_145 = arith.extui %eq3A_144 : i1 to i32
      %cond3A_146 = arith.constant 0 : i32
      %cond3A_147 = arith.cmpi ne, %convert_element_type3A_145, %cond3A_146 : i32
      scf.if %cond3A_147 {
        %dma_start3A_199 = arith.constant 0 : i32
        %dma_start3A_200 = tpu.memref_slice %arg14[%add3A_128, %dma_start3A_199] : memref<160x125xi32, #tpu.memory_space<vmem>> -> memref<1x125xi32, #tpu.memory_space<vmem>>
        %dma_start3A_201 = tpu.memref_squeeze %dma_start3A_200 : memref<1x125xi32, #tpu.memory_space<vmem>> -> memref<125xi32, #tpu.memory_space<vmem>>
        %dma_start3A_202 = arith.constant 0 : i32
        %dma_start3A_203 = arith.constant 0 : i32
        %dma_start3A_204 = tpu.memref_slice %arg21[%dma_start3A_202, %dma_start3A_203] : memref<10112x16xf32, #tpu.memory_space<vmem_shared>> -> memref<10112x16xf32, #tpu.memory_space<vmem_shared>>
        tpu.enqueue_indirect_dma source(%arg19 : memref<125x16xf32, #tpu.memory_space<vmem>>) target(%dma_start3A_204 : memref<10112x16xf32, #tpu.memory_space<vmem_shared>>) offsets(%dma_start3A_201 : memref<125xi32, #tpu.memory_space<vmem>>) semaphore(%arg24 : memref<!tpu.dma_semaphore, #tpu.memory_space<semaphore_mem>>) {add = true}
      } else {
      }
      %ge3A_148 = arith.constant 1 : i32
      %ge3A_149 = arith.cmpi sge, %add3A_128, %ge3A_148 : i32
      %convert_element_type3A_150 = arith.extui %ge3A_149 : i1 to i32
      %cond3A_151 = arith.constant 0 : i32
      %cond3A_152 = arith.cmpi ne, %convert_element_type3A_150, %cond3A_151 : i32
      scf.if %cond3A_152 {
        %dma_wait3A_199 = arith.constant 0 : i32
        %dma_wait3A_200 = arith.constant 0 : i32
        %dma_wait3A_201 = tpu.memref_slice %arg13[%dma_wait3A_199, %dma_wait3A_200] : memref<160x125xi32, #tpu.memory_space<vmem>> -> memref<1x125xi32, #tpu.memory_space<vmem>>
        %dma_wait3A_202 = tpu.memref_squeeze %dma_wait3A_201 : memref<1x125xi32, #tpu.memory_space<vmem>> -> memref<125xi32, #tpu.memory_space<vmem>>
        %dma_wait3A_203 = arith.constant 0 : i32
        %dma_wait3A_204 = arith.constant 0 : i32
        %dma_wait3A_205 = tpu.memref_slice %arg2[%dma_wait3A_203, %dma_wait3A_204] : memref<10000x64xf32, #tpu.memory_space<hbm>> -> memref<10000x64xf32, #tpu.memory_space<hbm>>
        tpu.wait_indirect_dma semaphore(%arg23 : memref<!tpu.dma_semaphore, #tpu.memory_space<semaphore_mem>>) src(%dma_wait3A_205 : memref<10000x64xf32, #tpu.memory_space<hbm>>) dst(%arg16 : memref<125x64xf32, #tpu.memory_space<vmem>>)
      } else {
      }
      %add3A_153 = arith.constant 4 : i32
      %add3A_154 = arith.addi %add3A_128, %add3A_153 : i32
      %sub3A_155 = arith.constant 1 : i32
      %sub3A_156 = arith.subi %add3A_154, %sub3A_155 : i32
      %lt3A_157 = arith.constant 160 : i32
      %lt3A_158 = arith.cmpi slt, %sub3A_156, %lt3A_157 : i32
      %convert_element_type3A_159 = arith.extui %lt3A_158 : i1 to i32
      %cond3A_160 = arith.constant 0 : i32
      %cond3A_161 = arith.cmpi ne, %convert_element_type3A_159, %cond3A_160 : i32
      scf.if %cond3A_161 {
        %add3A_199 = arith.constant 4 : i32
        %add3A_200 = arith.addi %add3A_128, %add3A_199 : i32
        %sub3A_201 = arith.constant 1 : i32
        %sub3A_202 = arith.subi %add3A_200, %sub3A_201 : i32
        %eq3A_203 = arith.constant 0 : i32
        %eq3A_204 = arith.cmpi eq, %arg0, %eq3A_203 : i32
        %convert_element_type3A_205 = arith.extui %eq3A_204 : i1 to i32
        %cond3A_206 = arith.constant 0 : i32
        %cond3A_207 = arith.cmpi ne, %convert_element_type3A_205, %cond3A_206 : i32
        scf.if %cond3A_207 {
          %dma_start3A_213 = arith.constant 0 : i32
          %dma_start3A_214 = tpu.memref_slice %arg13[%sub3A_202, %dma_start3A_213] : memref<160x125xi32, #tpu.memory_space<vmem>> -> memref<1x125xi32, #tpu.memory_space<vmem>>
          %dma_start3A_215 = tpu.memref_squeeze %dma_start3A_214 : memref<1x125xi32, #tpu.memory_space<vmem>> -> memref<125xi32, #tpu.memory_space<vmem>>
          %dma_start3A_216 = arith.constant 0 : i32
          %dma_start3A_217 = arith.constant 0 : i32
          %dma_start3A_218 = tpu.memref_slice %arg2[%dma_start3A_216, %dma_start3A_217] : memref<10000x64xf32, #tpu.memory_space<hbm>> -> memref<10000x64xf32, #tpu.memory_space<hbm>>
          tpu.enqueue_indirect_dma source(%dma_start3A_218 : memref<10000x64xf32, #tpu.memory_space<hbm>>) target(%arg16 : memref<125x64xf32, #tpu.memory_space<vmem>>) offsets(%dma_start3A_215 : memref<125xi32, #tpu.memory_space<vmem>>) semaphore(%arg22 : memref<!tpu.dma_semaphore, #tpu.memory_space<semaphore_mem>>)
        } else {
        }
        %eq3A_208 = arith.constant 1 : i32
        %eq3A_209 = arith.cmpi eq, %arg0, %eq3A_208 : i32
        %convert_element_type3A_210 = arith.extui %eq3A_209 : i1 to i32
        %cond3A_211 = arith.constant 0 : i32
        %cond3A_212 = arith.cmpi ne, %convert_element_type3A_210, %cond3A_211 : i32
        scf.if %cond3A_212 {
          %dma_start3A_213 = arith.constant 0 : i32
          %dma_start3A_214 = tpu.memref_slice %arg13[%sub3A_202, %dma_start3A_213] : memref<160x125xi32, #tpu.memory_space<vmem>> -> memref<1x125xi32, #tpu.memory_space<vmem>>
          %dma_start3A_215 = tpu.memref_squeeze %dma_start3A_214 : memref<1x125xi32, #tpu.memory_space<vmem>> -> memref<125xi32, #tpu.memory_space<vmem>>
          %dma_start3A_216 = arith.constant 0 : i32
          %dma_start3A_217 = arith.constant 0 : i32
          %dma_start3A_218 = tpu.memref_slice %arg3[%dma_start3A_216, %dma_start3A_217] : memref<10000x64xf32, #tpu.memory_space<hbm>> -> memref<10000x64xf32, #tpu.memory_space<hbm>>
          tpu.enqueue_indirect_dma source(%dma_start3A_218 : memref<10000x64xf32, #tpu.memory_space<hbm>>) target(%arg16 : memref<125x64xf32, #tpu.memory_space<vmem>>) offsets(%dma_start3A_215 : memref<125xi32, #tpu.memory_space<vmem>>) semaphore(%arg22 : memref<!tpu.dma_semaphore, #tpu.memory_space<semaphore_mem>>)
        } else {
        }
      } else {
      }
      %mul3A_162 = arith.constant 4 : i32
      %mul3A_163 = arith.muli %mul3A_162, %scan3A_56 : i32
      %add3A_164 = arith.constant 3 : i32
      %add3A_165 = arith.addi %mul3A_163, %add3A_164 : i32
      %dma_wait3A_166 = arith.constant 0 : i32
      %dma_wait3A_167 = arith.constant 0 : i32
      %dma_wait3A_168 = tpu.memref_slice %arg13[%dma_wait3A_166, %dma_wait3A_167] : memref<160x125xi32, #tpu.memory_space<vmem>> -> memref<1x125xi32, #tpu.memory_space<vmem>>
      %dma_wait3A_169 = tpu.memref_squeeze %dma_wait3A_168 : memref<1x125xi32, #tpu.memory_space<vmem>> -> memref<125xi32, #tpu.memory_space<vmem>>
      %dma_wait3A_170 = arith.constant 0 : i32
      %dma_wait3A_171 = arith.constant 0 : i32
      %dma_wait3A_172 = tpu.memref_slice %arg2[%dma_wait3A_170, %dma_wait3A_171] : memref<10000x64xf32, #tpu.memory_space<hbm>> -> memref<10000x64xf32, #tpu.memory_space<hbm>>
      tpu.wait_indirect_dma semaphore(%arg22 : memref<!tpu.dma_semaphore, #tpu.memory_space<semaphore_mem>>) src(%dma_wait3A_172 : memref<10000x64xf32, #tpu.memory_space<hbm>>) dst(%arg18 : memref<125x64xf32, #tpu.memory_space<vmem>>)
      %dma_start3A_173 = arith.constant 0 : i32
      %dma_start3A_174 = tpu.memref_slice %arg14[%add3A_165, %dma_start3A_173] : memref<160x125xi32, #tpu.memory_space<vmem>> -> memref<1x125xi32, #tpu.memory_space<vmem>>
      %dma_start3A_175 = tpu.memref_squeeze %dma_start3A_174 : memref<1x125xi32, #tpu.memory_space<vmem>> -> memref<125xi32, #tpu.memory_space<vmem>>
      %dma_start3A_176 = arith.constant 0 : i32
      %dma_start3A_177 = arith.constant 0 : i32
      %dma_start3A_178 = tpu.memref_slice %arg20[%dma_start3A_176, %dma_start3A_177] : memref<10112x64xf32, #tpu.memory_space<vmem_shared>> -> memref<10112x64xf32, #tpu.memory_space<vmem_shared>>
      tpu.enqueue_indirect_dma source(%arg18 : memref<125x64xf32, #tpu.memory_space<vmem>>) target(%dma_start3A_178 : memref<10112x64xf32, #tpu.memory_space<vmem_shared>>) offsets(%dma_start3A_175 : memref<125xi32, #tpu.memory_space<vmem>>) semaphore(%arg23 : memref<!tpu.dma_semaphore, #tpu.memory_space<semaphore_mem>>) {add = true}
      %rem3A_179 = arith.constant 2 : i32
      %rem3A_180 = arith.remsi %add3A_165, %rem3A_179 : i32
      %eq3A_181 = arith.cmpi eq, %rem3A_180, %arg0 : i32
      %convert_element_type3A_182 = arith.extui %eq3A_181 : i1 to i32
      %cond3A_183 = arith.constant 0 : i32
      %cond3A_184 = arith.cmpi ne, %convert_element_type3A_182, %cond3A_183 : i32
      scf.if %cond3A_184 {
        %dma_start3A_199 = arith.constant 0 : i32
        %dma_start3A_200 = tpu.memref_slice %arg14[%add3A_165, %dma_start3A_199] : memref<160x125xi32, #tpu.memory_space<vmem>> -> memref<1x125xi32, #tpu.memory_space<vmem>>
        %dma_start3A_201 = tpu.memref_squeeze %dma_start3A_200 : memref<1x125xi32, #tpu.memory_space<vmem>> -> memref<125xi32, #tpu.memory_space<vmem>>
        %dma_start3A_202 = arith.constant 0 : i32
        %dma_start3A_203 = arith.constant 0 : i32
        %dma_start3A_204 = tpu.memref_slice %arg21[%dma_start3A_202, %dma_start3A_203] : memref<10112x16xf32, #tpu.memory_space<vmem_shared>> -> memref<10112x16xf32, #tpu.memory_space<vmem_shared>>
        tpu.enqueue_indirect_dma source(%arg19 : memref<125x16xf32, #tpu.memory_space<vmem>>) target(%dma_start3A_204 : memref<10112x16xf32, #tpu.memory_space<vmem_shared>>) offsets(%dma_start3A_201 : memref<125xi32, #tpu.memory_space<vmem>>) semaphore(%arg24 : memref<!tpu.dma_semaphore, #tpu.memory_space<semaphore_mem>>) {add = true}
      } else {
      }
      %ge3A_185 = arith.constant 1 : i32
      %ge3A_186 = arith.cmpi sge, %add3A_165, %ge3A_185 : i32
      %convert_element_type3A_187 = arith.extui %ge3A_186 : i1 to i32
      %cond3A_188 = arith.constant 0 : i32
      %cond3A_189 = arith.cmpi ne, %convert_element_type3A_187, %cond3A_188 : i32
      scf.if %cond3A_189 {
        %dma_wait3A_199 = arith.constant 0 : i32
        %dma_wait3A_200 = arith.constant 0 : i32
        %dma_wait3A_201 = tpu.memref_slice %arg13[%dma_wait3A_199, %dma_wait3A_200] : memref<160x125xi32, #tpu.memory_space<vmem>> -> memref<1x125xi32, #tpu.memory_space<vmem>>
        %dma_wait3A_202 = tpu.memref_squeeze %dma_wait3A_201 : memref<1x125xi32, #tpu.memory_space<vmem>> -> memref<125xi32, #tpu.memory_space<vmem>>
        %dma_wait3A_203 = arith.constant 0 : i32
        %dma_wait3A_204 = arith.constant 0 : i32
        %dma_wait3A_205 = tpu.memref_slice %arg2[%dma_wait3A_203, %dma_wait3A_204] : memref<10000x64xf32, #tpu.memory_space<hbm>> -> memref<10000x64xf32, #tpu.memory_space<hbm>>
        tpu.wait_indirect_dma semaphore(%arg23 : memref<!tpu.dma_semaphore, #tpu.memory_space<semaphore_mem>>) src(%dma_wait3A_205 : memref<10000x64xf32, #tpu.memory_space<hbm>>) dst(%arg17 : memref<125x64xf32, #tpu.memory_space<vmem>>)
      } else {
      }
      %add3A_190 = arith.constant 4 : i32
      %add3A_191 = arith.addi %add3A_165, %add3A_190 : i32
      %sub3A_192 = arith.constant 1 : i32
      %sub3A_193 = arith.subi %add3A_191, %sub3A_192 : i32
      %lt3A_194 = arith.constant 160 : i32
      %lt3A_195 = arith.cmpi slt, %sub3A_193, %lt3A_194 : i32
      %convert_element_type3A_196 = arith.extui %lt3A_195 : i1 to i32
      %cond3A_197 = arith.constant 0 : i32
      %cond3A_198 = arith.cmpi ne, %convert_element_type3A_196, %cond3A_197 : i32
      scf.if %cond3A_198 {
        %add3A_199 = arith.constant 4 : i32
        %add3A_200 = arith.addi %add3A_165, %add3A_199 : i32
        %sub3A_201 = arith.constant 1 : i32
        %sub3A_202 = arith.subi %add3A_200, %sub3A_201 : i32
        %eq3A_203 = arith.constant 0 : i32
        %eq3A_204 = arith.cmpi eq, %arg0, %eq3A_203 : i32
        %convert_element_type3A_205 = arith.extui %eq3A_204 : i1 to i32
        %cond3A_206 = arith.constant 0 : i32
        %cond3A_207 = arith.cmpi ne, %convert_element_type3A_205, %cond3A_206 : i32
        scf.if %cond3A_207 {
          %dma_start3A_213 = arith.constant 0 : i32
          %dma_start3A_214 = tpu.memref_slice %arg13[%sub3A_202, %dma_start3A_213] : memref<160x125xi32, #tpu.memory_space<vmem>> -> memref<1x125xi32, #tpu.memory_space<vmem>>
          %dma_start3A_215 = tpu.memref_squeeze %dma_start3A_214 : memref<1x125xi32, #tpu.memory_space<vmem>> -> memref<125xi32, #tpu.memory_space<vmem>>
          %dma_start3A_216 = arith.constant 0 : i32
          %dma_start3A_217 = arith.constant 0 : i32
          %dma_start3A_218 = tpu.memref_slice %arg2[%dma_start3A_216, %dma_start3A_217] : memref<10000x64xf32, #tpu.memory_space<hbm>> -> memref<10000x64xf32, #tpu.memory_space<hbm>>
          tpu.enqueue_indirect_dma source(%dma_start3A_218 : memref<10000x64xf32, #tpu.memory_space<hbm>>) target(%arg17 : memref<125x64xf32, #tpu.memory_space<vmem>>) offsets(%dma_start3A_215 : memref<125xi32, #tpu.memory_space<vmem>>) semaphore(%arg22 : memref<!tpu.dma_semaphore, #tpu.memory_space<semaphore_mem>>)
        } else {
        }
        %eq3A_208 = arith.constant 1 : i32
        %eq3A_209 = arith.cmpi eq, %arg0, %eq3A_208 : i32
        %convert_element_type3A_210 = arith.extui %eq3A_209 : i1 to i32
        %cond3A_211 = arith.constant 0 : i32
        %cond3A_212 = arith.cmpi ne, %convert_element_type3A_210, %cond3A_211 : i32
        scf.if %cond3A_212 {
          %dma_start3A_213 = arith.constant 0 : i32
          %dma_start3A_214 = tpu.memref_slice %arg13[%sub3A_202, %dma_start3A_213] : memref<160x125xi32, #tpu.memory_space<vmem>> -> memref<1x125xi32, #tpu.memory_space<vmem>>
          %dma_start3A_215 = tpu.memref_squeeze %dma_start3A_214 : memref<1x125xi32, #tpu.memory_space<vmem>> -> memref<125xi32, #tpu.memory_space<vmem>>
          %dma_start3A_216 = arith.constant 0 : i32
          %dma_start3A_217 = arith.constant 0 : i32
          %dma_start3A_218 = tpu.memref_slice %arg3[%dma_start3A_216, %dma_start3A_217] : memref<10000x64xf32, #tpu.memory_space<hbm>> -> memref<10000x64xf32, #tpu.memory_space<hbm>>
          tpu.enqueue_indirect_dma source(%dma_start3A_218 : memref<10000x64xf32, #tpu.memory_space<hbm>>) target(%arg17 : memref<125x64xf32, #tpu.memory_space<vmem>>) offsets(%dma_start3A_215 : memref<125xi32, #tpu.memory_space<vmem>>) semaphore(%arg22 : memref<!tpu.dma_semaphore, #tpu.memory_space<semaphore_mem>>)
        } else {
        }
      } else {
      }
    }
    %scan3A_32 = arith.constant 40 : i32
    %dma_wait3A = arith.constant 0 : i32
    %dma_wait3A_33 = arith.constant 0 : i32
    %dma_wait3A_34 = tpu.memref_slice %arg13[%dma_wait3A, %dma_wait3A_33] : memref<160x125xi32, #tpu.memory_space<vmem>> -> memref<1x125xi32, #tpu.memory_space<vmem>>
    %dma_wait3A_35 = tpu.memref_squeeze %dma_wait3A_34 : memref<1x125xi32, #tpu.memory_space<vmem>> -> memref<125xi32, #tpu.memory_space<vmem>>
    %dma_wait3A_36 = arith.constant 0 : i32
    %dma_wait3A_37 = arith.constant 0 : i32
    %dma_wait3A_38 = tpu.memref_slice %arg2[%dma_wait3A_36, %dma_wait3A_37] : memref<10000x64xf32, #tpu.memory_space<hbm>> -> memref<10000x64xf32, #tpu.memory_space<hbm>>
    tpu.wait_indirect_dma semaphore(%arg23 : memref<!tpu.dma_semaphore, #tpu.memory_space<semaphore_mem>>) src(%dma_wait3A_38 : memref<10000x64xf32, #tpu.memory_space<hbm>>) dst(%arg15 : memref<125x64xf32, #tpu.memory_space<vmem>>)
    %scan3A_39 = arith.constant 0 : i32
    %scan3A_40 = arith.constant 0 : i32
    %scan3A_41 = arith.constant 80 : i32
    %scan3A_42 = arith.addi %scan3A_40, %scan3A_41 : i32
    %scan3A_43 = arith.constant 1 : i32
    scf.for %scan3A_56 = %scan3A_40 to %scan3A_42 step %scan3A_43  : i32 {
      tpu.wait_dma2 semaphore(%arg24 : memref<!tpu.dma_semaphore, #tpu.memory_space<semaphore_mem>>) src(%arg8 : memref<125x16xf32, #tpu.memory_space<hbm>>) dst(%arg19 : memref<125x16xf32, #tpu.memory_space<vmem>>)
    }
    %scan3A_44 = arith.constant 80 : i32
    %barrier3A_45 = arith.constant 0 : index
    tpu.barrier barrier_id(%barrier3A_45)
    %eq3A_46 = arith.constant 0 : i32
    %eq3A_47 = arith.cmpi eq, %arg0, %eq3A_46 : i32
    %convert_element_type3A_48 = arith.extui %eq3A_47 : i1 to i32
    %cond3A_49 = arith.constant 0 : i32
    %cond3A_50 = arith.cmpi ne, %convert_element_type3A_48, %cond3A_49 : i32
    scf.if %cond3A_50 {
      "tpu.region"() ({
        %run_scoped3A = tpu.sem_alloc : memref<!tpu.dma_semaphore, #tpu.memory_space<semaphore_mem>>
        %dma_start3A = arith.constant 0 : i32
        %dma_start3A_56 = tpu.memref_slice %arg9[%mul3A_0, %dma_start3A] : memref<10112x64xf32, #tpu.memory_space<hbm>> -> memref<632x64xf32, #tpu.memory_space<hbm>>
        %dma_start3A_57 = arith.constant 0 : i32
        %dma_start3A_58 = tpu.memref_slice %arg20[%mul3A_0, %dma_start3A_57] : memref<10112x64xf32, #tpu.memory_space<vmem_shared>> -> memref<632x64xf32, #tpu.memory_space<vmem_shared>>
        tpu.enqueue_dma source(%dma_start3A_58 : memref<632x64xf32, #tpu.memory_space<vmem_shared>>) target(%dma_start3A_56 : memref<632x64xf32, #tpu.memory_space<hbm>>) target_semaphore(%run_scoped3A : memref<!tpu.dma_semaphore, #tpu.memory_space<semaphore_mem>>)
        %dma_wait3A_59 = arith.constant 0 : i32
        %dma_wait3A_60 = tpu.memref_slice %arg9[%mul3A_0, %dma_wait3A_59] : memref<10112x64xf32, #tpu.memory_space<hbm>> -> memref<632x64xf32, #tpu.memory_space<hbm>>
        %dma_wait3A_61 = arith.constant 0 : i32
        %dma_wait3A_62 = tpu.memref_slice %arg20[%mul3A_0, %dma_wait3A_61] : memref<10112x64xf32, #tpu.memory_space<vmem_shared>> -> memref<632x64xf32, #tpu.memory_space<vmem_shared>>
        tpu.wait_dma2 semaphore(%run_scoped3A : memref<!tpu.dma_semaphore, #tpu.memory_space<semaphore_mem>>) src(%dma_wait3A_62 : memref<632x64xf32, #tpu.memory_space<vmem_shared>>) dst(%dma_wait3A_60 : memref<632x64xf32, #tpu.memory_space<hbm>>)
        tpu.yield
      }) : () -> ()
      "tpu.region"() ({
        %run_scoped3A = tpu.sem_alloc : memref<!tpu.dma_semaphore, #tpu.memory_space<semaphore_mem>>
        %dma_start3A = arith.constant 0 : i32
        %dma_start3A_56 = tpu.memref_slice %arg11[%mul3A_0, %dma_start3A] : memref<10112x16xf32, #tpu.memory_space<hbm>> -> memref<632x16xf32, #tpu.memory_space<hbm>>
        %dma_start3A_57 = arith.constant 0 : i32
        %dma_start3A_58 = tpu.memref_slice %arg21[%mul3A_0, %dma_start3A_57] : memref<10112x16xf32, #tpu.memory_space<vmem_shared>> -> memref<632x16xf32, #tpu.memory_space<vmem_shared>>
        tpu.enqueue_dma source(%dma_start3A_58 : memref<632x16xf32, #tpu.memory_space<vmem_shared>>) target(%dma_start3A_56 : memref<632x16xf32, #tpu.memory_space<hbm>>) target_semaphore(%run_scoped3A : memref<!tpu.dma_semaphore, #tpu.memory_space<semaphore_mem>>)
        %dma_wait3A_59 = arith.constant 0 : i32
        %dma_wait3A_60 = tpu.memref_slice %arg11[%mul3A_0, %dma_wait3A_59] : memref<10112x16xf32, #tpu.memory_space<hbm>> -> memref<632x16xf32, #tpu.memory_space<hbm>>
        %dma_wait3A_61 = arith.constant 0 : i32
        %dma_wait3A_62 = tpu.memref_slice %arg21[%mul3A_0, %dma_wait3A_61] : memref<10112x16xf32, #tpu.memory_space<vmem_shared>> -> memref<632x16xf32, #tpu.memory_space<vmem_shared>>
        tpu.wait_dma2 semaphore(%run_scoped3A : memref<!tpu.dma_semaphore, #tpu.memory_space<semaphore_mem>>) src(%dma_wait3A_62 : memref<632x16xf32, #tpu.memory_space<vmem_shared>>) dst(%dma_wait3A_60 : memref<632x16xf32, #tpu.memory_space<hbm>>)
        tpu.yield
      }) : () -> ()
    } else {
    }
    %eq3A_51 = arith.constant 1 : i32
    %eq3A_52 = arith.cmpi eq, %arg0, %eq3A_51 : i32
    %convert_element_type3A_53 = arith.extui %eq3A_52 : i1 to i32
    %cond3A_54 = arith.constant 0 : i32
    %cond3A_55 = arith.cmpi ne, %convert_element_type3A_53, %cond3A_54 : i32
    scf.if %cond3A_55 {
      "tpu.region"() ({
        %run_scoped3A = tpu.sem_alloc : memref<!tpu.dma_semaphore, #tpu.memory_space<semaphore_mem>>
        %dma_start3A = arith.constant 0 : i32
        %dma_start3A_56 = tpu.memref_slice %arg10[%mul3A_0, %dma_start3A] : memref<10112x64xf32, #tpu.memory_space<hbm>> -> memref<632x64xf32, #tpu.memory_space<hbm>>
        %dma_start3A_57 = arith.constant 0 : i32
        %dma_start3A_58 = tpu.memref_slice %arg20[%mul3A_0, %dma_start3A_57] : memref<10112x64xf32, #tpu.memory_space<vmem_shared>> -> memref<632x64xf32, #tpu.memory_space<vmem_shared>>
        tpu.enqueue_dma source(%dma_start3A_58 : memref<632x64xf32, #tpu.memory_space<vmem_shared>>) target(%dma_start3A_56 : memref<632x64xf32, #tpu.memory_space<hbm>>) target_semaphore(%run_scoped3A : memref<!tpu.dma_semaphore, #tpu.memory_space<semaphore_mem>>)
        %dma_wait3A_59 = arith.constant 0 : i32
        %dma_wait3A_60 = tpu.memref_slice %arg10[%mul3A_0, %dma_wait3A_59] : memref<10112x64xf32, #tpu.memory_space<hbm>> -> memref<632x64xf32, #tpu.memory_space<hbm>>
        %dma_wait3A_61 = arith.constant 0 : i32
        %dma_wait3A_62 = tpu.memref_slice %arg20[%mul3A_0, %dma_wait3A_61] : memref<10112x64xf32, #tpu.memory_space<vmem_shared>> -> memref<632x64xf32, #tpu.memory_space<vmem_shared>>
        tpu.wait_dma2 semaphore(%run_scoped3A : memref<!tpu.dma_semaphore, #tpu.memory_space<semaphore_mem>>) src(%dma_wait3A_62 : memref<632x64xf32, #tpu.memory_space<vmem_shared>>) dst(%dma_wait3A_60 : memref<632x64xf32, #tpu.memory_space<hbm>>)
        tpu.yield
      }) : () -> ()
      "tpu.region"() ({
        %run_scoped3A = tpu.sem_alloc : memref<!tpu.dma_semaphore, #tpu.memory_space<semaphore_mem>>
        %dma_start3A = arith.constant 0 : i32
        %dma_start3A_56 = tpu.memref_slice %arg12[%mul3A_0, %dma_start3A] : memref<10112x16xf32, #tpu.memory_space<hbm>> -> memref<632x16xf32, #tpu.memory_space<hbm>>
        %dma_start3A_57 = arith.constant 0 : i32
        %dma_start3A_58 = tpu.memref_slice %arg21[%mul3A_0, %dma_start3A_57] : memref<10112x16xf32, #tpu.memory_space<vmem_shared>> -> memref<632x16xf32, #tpu.memory_space<vmem_shared>>
        tpu.enqueue_dma source(%dma_start3A_58 : memref<632x16xf32, #tpu.memory_space<vmem_shared>>) target(%dma_start3A_56 : memref<632x16xf32, #tpu.memory_space<hbm>>) target_semaphore(%run_scoped3A : memref<!tpu.dma_semaphore, #tpu.memory_space<semaphore_mem>>)
        %dma_wait3A_59 = arith.constant 0 : i32
        %dma_wait3A_60 = tpu.memref_slice %arg12[%mul3A_0, %dma_wait3A_59] : memref<10112x16xf32, #tpu.memory_space<hbm>> -> memref<632x16xf32, #tpu.memory_space<hbm>>
        %dma_wait3A_61 = arith.constant 0 : i32
        %dma_wait3A_62 = tpu.memref_slice %arg21[%mul3A_0, %dma_wait3A_61] : memref<10112x16xf32, #tpu.memory_space<vmem_shared>> -> memref<632x16xf32, #tpu.memory_space<vmem_shared>>
        tpu.wait_dma2 semaphore(%run_scoped3A : memref<!tpu.dma_semaphore, #tpu.memory_space<semaphore_mem>>) src(%dma_wait3A_62 : memref<632x16xf32, #tpu.memory_space<vmem_shared>>) dst(%dma_wait3A_60 : memref<632x16xf32, #tpu.memory_space<hbm>>)
        tpu.yield
      }) : () -> ()
    } else {
    }
    return
  }
}

module attributes {stable_mosaic.version = 14 : i64} {
  func.func @_tc_combine_body(%arg0: i32, %arg1: memref<1000x64xf32, #tpu.memory_space<vmem>>, %arg2: memref<1000x64xf32, #tpu.memory_space<vmem>>, %arg3: memref<1000x16xf32, #tpu.memory_space<vmem>>, %arg4: memref<1000x16xf32, #tpu.memory_space<vmem>>, %arg5: memref<1000x128xf32, #tpu.memory_space<vmem>>, %arg6: memref<128x128xf32, #tpu.memory_space<vmem>>, %arg7: memref<128x128xf32, #tpu.memory_space<vmem>>, %arg8: memref<1x128xf32, #tpu.memory_space<vmem>>, %arg9: memref<1000x128xf32, #tpu.memory_space<vmem>>) attributes {dimension_semantics = [#tpu.dimension_semantics<arbitrary>], iteration_bounds = array<i64: 10>, scalar_prefetch = 0 : i64, scratch_operands = 0 : i64, tpu.core_type = #tpu.core_type<tc>, window_params = [{transform_indices = @transform_0, window_bounds = array<i64: 1000, 64>}, {transform_indices = @transform_1, window_bounds = array<i64: 1000, 64>}, {transform_indices = @transform_2, window_bounds = array<i64: 1000, 16>}, {transform_indices = @transform_3, window_bounds = array<i64: 1000, 16>}, {transform_indices = @transform_4, window_bounds = array<i64: 1000, 128>}, {pipeline_mode = #tpu.pipeline_mode<synchronous>, transform_indices = @transform_5, window_bounds = array<i64: 128, 128>}, {pipeline_mode = #tpu.pipeline_mode<synchronous>, transform_indices = @transform_6, window_bounds = array<i64: 128, 128>}, {pipeline_mode = #tpu.pipeline_mode<synchronous>, transform_indices = @transform_7, window_bounds = array<i64: 1, 128>}, {transform_indices = @transform_8, window_bounds = array<i64: 1000, 128>}]} {
    %get3A = arith.constant 0 : index
    %get3A_0 = arith.constant 0 : index
    %get3A_1 = vector.load %arg3[%get3A, %get3A_0] : memref<1000x16xf32, #tpu.memory_space<vmem>>, vector<1000x1xf32>
    %get3A_2 = arith.constant 0 : index
    %get3A_3 = arith.constant 0 : index
    %get3A_4 = vector.load %arg4[%get3A_2, %get3A_3] : memref<1000x16xf32, #tpu.memory_space<vmem>>, vector<1000x1xf32>
    %add3A = arith.addf %get3A_1, %get3A_4 : vector<1000x1xf32>
    %max3A = arith.constant 1.000000e+00 : f32
    %max3A_5 = vector.broadcast %max3A : f32 to vector<1000x1xf32>
    %max3A_6 = arith.maximumf %add3A, %max3A_5 : vector<1000x1xf32>
    %div3A = arith.constant 1.000000e+00 : f32
    %div3A_7 = vector.broadcast %div3A : f32 to vector<1000x1xf32>
    %div3A_8 = arith.divf %div3A_7, %max3A_6 : vector<1000x1xf32>
    %get3A_9 = arith.constant 0 : index
    %get3A_10 = arith.constant 0 : index
    %get3A_11 = vector.load %arg1[%get3A_9, %get3A_10] : memref<1000x64xf32, #tpu.memory_space<vmem>>, vector<1000x64xf32>
    %mul3A = vector.broadcast %div3A_8 : vector<1000x1xf32> to vector<1000x64xf32>
    %mul3A_12 = arith.mulf %get3A_11, %mul3A : vector<1000x64xf32>
    %get3A_13 = arith.constant 0 : index
    %get3A_14 = arith.constant 0 : index
    %get3A_15 = vector.load %arg2[%get3A_13, %get3A_14] : memref<1000x64xf32, #tpu.memory_space<vmem>>, vector<1000x64xf32>
    %mul3A_16 = vector.broadcast %div3A_8 : vector<1000x1xf32> to vector<1000x64xf32>
    %mul3A_17 = arith.mulf %get3A_15, %mul3A_16 : vector<1000x64xf32>
    %get3A_18 = arith.constant 0 : index
    %get3A_19 = arith.constant 0 : index
    %get3A_20 = vector.load %arg6[%get3A_18, %get3A_19] : memref<128x128xf32, #tpu.memory_space<vmem>>, vector<64x128xf32>
    %dot_general3A = arith.constant dense<0.000000e+00> : vector<1000x128xf32>
    %dot_general3A_21 = tpu.matmul %mul3A_12, %get3A_20, %dot_general3A {dimension_numbers = #tpu.dot_dimension_numbers<[1], [0], [0], [1], [0, 0, 1, 1], [], []>, transpose_lhs_hint = false} : vector<1000x64xf32>, vector<64x128xf32>, vector<1000x128xf32> -> vector<1000x128xf32>
    %get3A_22 = arith.constant 64 : index
    %get3A_23 = arith.constant 0 : index
    %get3A_24 = vector.load %arg6[%get3A_22, %get3A_23] : memref<128x128xf32, #tpu.memory_space<vmem>>, vector<64x128xf32>
    %dot_general3A_25 = arith.constant dense<0.000000e+00> : vector<1000x128xf32>
    %dot_general3A_26 = tpu.matmul %mul3A_17, %get3A_24, %dot_general3A_25 {dimension_numbers = #tpu.dot_dimension_numbers<[1], [0], [0], [1], [0, 0, 1, 1], [], []>, transpose_lhs_hint = false} : vector<1000x64xf32>, vector<64x128xf32>, vector<1000x128xf32> -> vector<1000x128xf32>
    %add3A_27 = arith.addf %dot_general3A_21, %dot_general3A_26 : vector<1000x128xf32>
    %get3A_28 = arith.constant 0 : index
    %get3A_29 = arith.constant 0 : index
    %get3A_30 = vector.load %arg5[%get3A_28, %get3A_29] : memref<1000x128xf32, #tpu.memory_space<vmem>>, vector<1000x128xf32>
    %get3A_31 = arith.constant 0 : index
    %get3A_32 = arith.constant 0 : index
    %get3A_33 = vector.load %arg7[%get3A_31, %get3A_32] : memref<128x128xf32, #tpu.memory_space<vmem>>, vector<128x128xf32>
    %dot_general3A_34 = arith.constant dense<0.000000e+00> : vector<1000x128xf32>
    %dot_general3A_35 = tpu.matmul %get3A_30, %get3A_33, %dot_general3A_34 {dimension_numbers = #tpu.dot_dimension_numbers<[1], [0], [0], [1], [0, 0, 1, 1], [], []>, transpose_lhs_hint = false} : vector<1000x128xf32>, vector<128x128xf32>, vector<1000x128xf32> -> vector<1000x128xf32>
    %add3A_36 = arith.addf %add3A_27, %dot_general3A_35 : vector<1000x128xf32>
    %get3A_37 = arith.constant 0 : index
    %get3A_38 = arith.constant 0 : index
    %get3A_39 = vector.load %arg8[%get3A_37, %get3A_38] : memref<1x128xf32, #tpu.memory_space<vmem>>, vector<1x128xf32>
    %add3A_40 = vector.broadcast %get3A_39 : vector<1x128xf32> to vector<1000x128xf32>
    %add3A_41 = arith.addf %add3A_36, %add3A_40 : vector<1000x128xf32>
    %max3A_42 = arith.constant 0.000000e+00 : f32
    %max3A_43 = vector.broadcast %max3A_42 : f32 to vector<1000x128xf32>
    %max3A_44 = arith.maximumf %add3A_41, %max3A_43 : vector<1000x128xf32>
    %swap3A = arith.constant 0 : index
    %swap3A_45 = arith.constant 0 : index
    %swap3A_46 = vector.load %arg9[%swap3A, %swap3A_45] : memref<1000x128xf32, #tpu.memory_space<vmem>>, vector<1000x128xf32>
    tpu.vector_store %arg9[%swap3A, %swap3A_45], %max3A_44 {strides = array<i32>} : memref<1000x128xf32, #tpu.memory_space<vmem>>, vector<1000x128xf32>,
    return
  }
  func.func @transform_0(%arg0: i32) -> (i32, i32) {
    %c0_i32 = arith.constant 0 : i32
    %c0_i32_0 = arith.constant 0 : i32
    return %arg0, %c0_i32 : i32, i32
  }
  func.func @transform_1(%arg0: i32) -> (i32, i32) {
    %c0_i32 = arith.constant 0 : i32
    %c0_i32_0 = arith.constant 0 : i32
    return %arg0, %c0_i32 : i32, i32
  }
  func.func @transform_2(%arg0: i32) -> (i32, i32) {
    %c0_i32 = arith.constant 0 : i32
    %c0_i32_0 = arith.constant 0 : i32
    return %arg0, %c0_i32 : i32, i32
  }
  func.func @transform_3(%arg0: i32) -> (i32, i32) {
    %c0_i32 = arith.constant 0 : i32
    %c0_i32_0 = arith.constant 0 : i32
    return %arg0, %c0_i32 : i32, i32
  }
  func.func @transform_4(%arg0: i32) -> (i32, i32) {
    %c0_i32 = arith.constant 0 : i32
    %c0_i32_0 = arith.constant 0 : i32
    return %arg0, %c0_i32 : i32, i32
  }
  func.func @transform_5(%arg0: i32) -> (i32, i32) {
    %c0_i32 = arith.constant 0 : i32
    %c0_i32_0 = arith.constant 0 : i32
    %c0_i32_1 = arith.constant 0 : i32
    return %c0_i32, %c0_i32_0 : i32, i32
  }
  func.func @transform_6(%arg0: i32) -> (i32, i32) {
    %c0_i32 = arith.constant 0 : i32
    %c0_i32_0 = arith.constant 0 : i32
    %c0_i32_1 = arith.constant 0 : i32
    return %c0_i32, %c0_i32_0 : i32, i32
  }
  func.func @transform_7(%arg0: i32) -> (i32, i32) {
    %c0_i32 = arith.constant 0 : i32
    %c0_i32_0 = arith.constant 0 : i32
    %c0_i32_1 = arith.constant 0 : i32
    return %c0_i32, %c0_i32_0 : i32, i32
  }
  func.func @transform_8(%arg0: i32) -> (i32, i32) {
    %c0_i32 = arith.constant 0 : i32
    %c0_i32_0 = arith.constant 0 : i32
    return %arg0, %c0_i32 : i32, i32
  }
}

</mosaic_0001>

<sc_bundles>
// kernel: kernel.4.cloned.1.call-start
scs
__scs_entry_jumppad:
0x0: {  	(pc) =	sbr.rel $0x88, $3  }
0x1: {  	(tag) =	ssettag $0x0;
	lr =	simm.s32 $0x1  }
0x2: {  	[smem:$0x3F9C] =	sst lr;
	_ =	strace $0xD0000000  }
0x3: {  	_ = 	snop  }
0x4: {  	_ = 	snop  }
0x5: {  	_ = 	snop  }
0x6: {  	_ = 	snop  }
0x7: {  	_ = 	snop  }
__scs_overlays_trampoline_lowered:
0x8: {  	[smem:$0x3FAB] =	sst s0  }
0x9: {  	[smem:$0x3FAC] =	sst s1  }
0xa: {  	[smem:$0x3FAD] =	sst s2  }
0xb: {  	[smem:$0x3FAE] =	sst s3  }
0xc: {  	[smem:$0x3FAF] =	sst s4  }
0xd: {  	[smem:$0x3FB0] =	sst s5  }
0xe: {  	[smem:$0x3FB1] =	sst s6  }
0xf: {  	[smem:$0x3FB2] =	sst s7  }
0x10: {  	[smem:$0x3FB3] =	sst s8  }
0x11: {  	[smem:$0x3FB4] =	sst s9;
	s0 =	simm.s32 @!p0 $0x0  }
0x12: {  	s1 =	sld [smem:$0x3F9A];
	s0 =	simm.s32 @p0 $0x1  }
0x13: {  	[smem:$0x3FB5] =	sst s0;
	s0 =	simm.s32 @!p1 $0x0  }
0x14: {  	s2 =	sld [smem:$0x3F99];
	s0 =	simm.s32 @p1 $0x1  }
0x15: {  	[smem:$0x3FB6] =	sst s0;
	s0 =	simm.s32 @!p2 $0x0  }
0x16: {  	s3 =	sld [smem:$0x3FDB];
	s0 =	simm.s32 @p2 $0x1  }
0x17: {  	s4 =	simm.s32 $0x1BF5;
	[smem:$0x3FB8] =	sst s0  }
0x18: {  	s0 =	sld [smem:$0x3F9B];
	_ =	swait.ge [sflag:s4], $0x0  }
0x19: {  	s7 =	sld [smem:$0x3F9C]  }
0x1a: {  	s8 =	sadd.s32 $0xFFFFE003, lr  }
0x1b: {  	s9 =	sadd.s32 $0xFFFFFEF7, lr;
	s5 =	simm.s32 $0xFFFFFFFF;
	p2 =	slt.u32 s8, $0xFFFFF086  }
0x1c: {  	p1 =	slt.u32 s9, $0xF7A;
	s5 =	simm.s32 @!p2 $0x0  }
0x1d: {  	s5 =	simm.s32 @p1 $0x1;
	p0 =	seq.s32 s7, s2  }
0x1e: {  	s7 =	smul.u32 @!p0 $0xF7A, s2;
	p2 =	seq.s32 @!p0 s5, $0x0  }
0x1f: {  	s9 =	smul.u32 $0xF7A, s1;
	s8 =	simm.s32 @!p0 $0x1BF5;
	p2 =	por !p2, p0  }
0x20: {  	[sflag:s8] =	ssyncset.s32 @!p0 $0xFFFFF086;
	s6 =	sadd.s32 @!p0 s3, s7;
	s7 =	simm.s32 @!p0 $0x108  }
0x21: {  	s3 =	sadd.s32 s3, s9;
	s6 =	sadd.s32 @!p0 $0x88, s6;
	s7 =	simm.s32 @p2 $0x1082  }
0x22: {  	[simem:s7], [sflag:s8] =	dma.local @!p0 [hbm:s6], $0xF7A  }
0x23: {  	s9 =	sor.u32 $0xD0000000, s2;
	s6 =	simm.s32 $0x108;
	_ =	swait.ge @!p0 [sflag:s8], $0x0  }
0x24: {  	s3 =	sadd.s32 $0x88, s3;
	s6 =	simm.s32 @!p1 $0x1082;
	[sflag:s4] =	ssyncset.s32 $0xFFFFF086  }
0x25: {  	[simem:s6], [sflag:s4] =	dma.local [hbm:s3], $0xF7A  }
0x26: {  	[smem:$0x3F9C] =	sst s1;
	(tag) =	ssettag s2;
	_ =	strace s9  }
0x27: {  	s1 =	sld [smem:$0x3FAC]  }
0x28: {  	s2 =	sld [smem:$0x3FAD]  }
0x29: {  	s4 =	sld [smem:$0x3FAF]  }
0x2a: {  	p0 =	seq.s32 s5, $0x0;
	s5 =	sld [smem:$0x3FB0]  }
0x2b: {  	s6 =	sld [smem:$0x3FB1]  }
0x2c: {  	s7 =	sld [smem:$0x3FB2]  }
0x2d: {  	s3 =	simm.s32 $0x108;
	s8 =	sld [smem:$0x3FB3]  }
0x2e: {  	s3 =	simm.s32 @!p0 $0x1082;
	s9 =	sld [smem:$0x3FB4]  }
0x2f: {  	lr =	sadd.s32 s0, s3;
	s0 =	sld [smem:$0x3FAB]  }
0x30: {  	s3 =	sld [smem:$0x3FAE]  }
0x31: {  	[smem:$0x3FB7] =	sst s10  }
0x32: {  	s10 =	sld [smem:$0x3FB5];
	_ =	sdelay $0x3  }
0x33: {  	p0 =	seq.s32 s10, $0x1;
	s10 =	sld [smem:$0x3FB7];
	_ =	sdelay $0x3  }
0x34: {  	[smem:$0x3FB7] =	sst s10  }
0x35: {  	s10 =	sld [smem:$0x3FB6];
	_ =	sdelay $0x3  }
0x36: {  	p1 =	seq.s32 s10, $0x1;
	s10 =	sld [smem:$0x3FB7];
	_ =	sdelay $0x3  }
0x37: {  	[smem:$0x3FB7] =	sst s10  }
0x38: {  	s10 =	sld [smem:$0x3FB8]  }
0x39: {  	_ = 	snop;
	(pc) =	sbr.ind lr, $3  }
0x3a: {  	_ = 	snop  }
0x3b: {  	_ = 	snop  }
0x3c: {  	p2 =	seq.s32 s10, $0x1;
	s10 =	sld [smem:$0x3FB7]  }
0x3d: {  	_ =	shalt  }
0x3e: {  	_ =	shalt  }
0x3f: {  	_ =	shalt  }
0x40: {  	_ =	shalt  }
0x41: {  	_ =	shalt  }
0x42: {  	_ =	shalt  }
0x43: {  	_ =	shalt  }
0x44: {  	_ =	shalt  }
0x45: {  	_ =	shalt  }
0x46: {  	_ =	shalt  }
0x47: {  	_ =	shalt  }
0x48: {  	_ =	shalt  }
0x49: {  	_ =	shalt  }
0x4a: {  	_ =	shalt  }
0x4b: {  	_ =	shalt  }
0x4c: {  	_ =	shalt  }
0x4d: {  	_ =	shalt  }
0x4e: {  	_ =	shalt  }
0x4f: {  	_ =	shalt  }
0x50: {  	_ =	shalt  }
0x51: {  	_ =	shalt  }
0x52: {  	_ =	shalt  }
0x53: {  	_ =	shalt  }
0x54: {  	_ =	shalt  }
0x55: {  	_ =	shalt  }
0x56: {  	_ =	shalt  }
0x57: {  	_ =	shalt  }
0x58: {  	_ =	shalt  }
0x59: {  	_ =	shalt  }
0x5a: {  	_ =	shalt  }
0x5b: {  	_ =	shalt  }
0x5c: {  	_ =	shalt  }
0x5d: {  	_ =	shalt  }
0x5e: {  	_ =	shalt  }
0x5f: {  	_ =	shalt  }
0x60: {  	_ =	shalt  }
0x61: {  	_ =	shalt  }
0x62: {  	_ =	shalt  }
0x63: {  	_ =	shalt  }
0x64: {  	_ =	shalt  }
0x65: {  	_ =	shalt  }
0x66: {  	_ =	shalt  }
0x67: {  	_ =	shalt  }
0x68: {  	_ =	shalt  }
0x69: {  	_ =	shalt  }
0x6a: {  	_ =	shalt  }
0x6b: {  	_ =	shalt  }
0x6c: {  	_ =	shalt  }
0x6d: {  	_ =	shalt  }
0x6e: {  	_ =	shalt  }
0x6f: {  	_ =	shalt  }
0x70: {  	_ =	shalt  }
0x71: {  	_ =	shalt  }
0x72: {  	_ =	shalt  }
0x73: {  	_ =	shalt  }
0x74: {  	_ =	shalt  }
0x75: {  	_ =	shalt  }
0x76: {  	_ =	shalt  }
0x77: {  	_ =	shalt  }
0x78: {  	_ =	shalt  }
0x79: {  	_ =	shalt  }
0x7a: {  	_ =	shalt  }
0x7b: {  	_ =	shalt  }
0x7c: {  	_ =	shalt  }
0x7d: {  	_ =	shalt  }
0x7e: {  	_ =	shalt  }
0x7f: {  	_ =	shalt  }
0x80: {  	_ =	shalt  }
0x81: {  	_ =	shalt  }
0x82: {  	_ =	shalt  }
0x83: {  	_ =	shalt  }
0x84: {  	_ =	shalt  }
0x85: {  	_ =	shalt  }
0x86: {  	_ =	shalt  }
0x87: {  	_ =	shalt  }
.Lfunc_end0:
.L_simem_size_0:
called_computation_lowered:
.L_overlay_start_0:
0x88: {  	s2 =	sld [smem:$0x3FD9]  }
0x89: {  	s3 =	sld [smem:$0x3FFE];
	_ =	sdelay $0x1  }
0x8a: {  	s1 =	srdreg.scid  }
0x8b: {  	s0 =	sand.u32 $0x1, s1  }
0x8c: {  	s17 =	sshll.u32 s0, $0xA;
	s2 =	sadd.s32 s3, s2  }
0x8d: {  	s2 =	sadd.s32 s2, s17  }
0x8e: {  	[smem:$0x3FC3] =	sst s2  }
0x8f: {  	_ = 	snop  }
0x90: {  	s2 =	sld [smem:$0x3FD0];
	(tm) =	ssettm $0x1  }
0x91: {  	s18 =	sld [smem:$0x3FFB];
	_ =	sdelay $0x3  }
0x92: {  	_ =	strace s18  }
0x93: {  	s3 =	sld [smem:$0x3FFC];
	_ =	sdelay $0x3  }
0x94: {  	_ =	strace s3  }
0x95: {  	s3 =	sld [smem:$0x3FFD];
	_ =	sdelay $0x3  }
0x96: {  	_ =	strace s3  }
0x97: {  	_ =	strace $0x8FFFFFFF  }
0x98: {  	s19 =	sld [smem:$0x3FDB];
	_ =	sdelay $0x1  }
0x99: {  	s4 =	simm.s32 $_scs_section_size  }
0x9a: {  	s5 =	simm.s32 $_size__tile_overlayer_lowered;
	s6 =	simm.s32 $_tile_overlayer_lowered  }
0x9b: {  	s22 =	simm.s32 $0x1BFF;
	s21 =	sshll.u32 s6, $0x1;
	s3 =	sadd.s32 s4, s19  }
0x9c: {  	s7 =	simm.s32 $0x0;
	s20 =	sshll.u32 s5, $0x1;
	s5 =	sadd.s32 s21, s3  }
0x9d: {  	[timem:s7], [sflag:s22] =	dma.local [hbm:s5], s20  }
0x9e: {  	_ =	swait.ge [sflag:s22], s20  }
0x9f: {  	s4 =	ssub.s32 $0x0, s20;
	[sflag:s22] =	ssyncset.done $0x0  }
0xa0: {  	[sflag:s22] =	ssyncadd.s32 s4;
	_ =	sdelay $0x1  }
0xa1: {  	s23 =	simm.s32 $0x1B8B  }
0xa2: {  	_ =	swait.ge [sflag:s23], $0x1  }
0xa3: {  	[sflag:s23] =	ssyncset.done $0x0  }
0xa4: {  	s25 =	simm.s32 $0x1B8E;
	s24 =	sld [smem:$0x3FFE];
	[sflag:s23] =	ssyncadd.s32 $0xFFFFFFFF  }
0xa5: {  	s26 =	simm.s32 $execute0_lowered;
	[smem:$0x3FD2] =	sst s25  }
0xa6: {  	s5 =	sshll.u32 s26, $0x1;
	_ =	strace $0x80000046;
	[dreg:$0x1] =	wrdreg $0xFFFFFFFF  }
0xa7: {  	s28 =	simm.s32 $_size_execute0_lowered;
	s3 =	sadd.s32 s3, s5;
	[dreg:$0x0] =	wrdreg $0x0  }
0xa8: {  	s5 =	sshll.u32 s28, $0x1;
	[dreg:$0x2] =	wrdreg s3  }
0xa9: {  	[dreg:$0x3] =	wrdreg s5  }
0xaa: {  	[dreg:$0x4] =	wrdreg $0xC0  }
0xab: {  	_ =	task [dreg:s7], $0x5FFFF  }
0xac: {  	[dreg:$0x1] =	wrdreg $0xFFFFFFFF  }
0xad: {  	[dreg:$0x0] =	wrdreg $0x60  }
0xae: {  	[dreg:$0x2] =	wrdreg s24  }
0xaf: {  	[dreg:$0x3] =	wrdreg s2  }
0xb0: {  	[dreg:$0x4] =	wrdreg $0x124D00  }
0xb1: {  	[dreg:$0x5] =	wrdreg $0x1C2D00  }
0xb2: {  	[dreg:$0x6] =	wrdreg $0x9  }
0xb3: {  	_ =	task.clear_ibuf [dreg:s7], $0x7FFFF;
	_ =	strace $0x90000046  }
0xb4: {  	s29 =	simm.s32 $0x9;
	_ =	strace $0x80000048  }
0xb5: {  	_ =	swait.ge [sflag:s29], $0x1  }
0xb6: {  	[sflag:s29] =	ssyncadd.s32 $0xFFFFFFFF  }
0xb7: {  	_ =	strace $0x90000048  }
0xb8: {  	_ =	sfence  }
0xb9: {  	s30 =	sld [smem:$0x0];
	_ =	sdelay $0x2  }
0xba: {  	s31 =	sshll.u32 s1, $0xD;
	s1 =	sshrl.u32 s1, $0x2  }
0xbb: {  	s3 =	sand.u32 $0x4000, s31;
	s1 =	sadd.s32 s1, s30  }
0xbc: {  	s0 =	sor.u32 s3, s0;
	s1 =	sshll.u32 s1, $0x11  }
0xbd: {  	s0 =	sor.u32 s1, s0  }
0xbe: {  	s0 =	sadd.s32 $0x8F2B, s0  }
0xbf: {  	[sflag:s0] =	ssyncadd.remote.s32 $0x1  }
0xc0: {  	_ =	sfence.sel $0xFFFF  }
0xc1: {  	[dreg:$0x0] =	wrdreg $0xFFFFFFFF;
	(pc) =	sbr.abs _section_cstart, $3  }
0xc2: {  	[dreg:$0x1] =	wrdreg $0xFFFFFFFF  }
0xc3: {  	_ =	task.clear_ibuf [dreg:s7], $0x2FFFF;
	_ =	strace $0x9FFFFFFF  }
0xc4: {  	(tm) =	ssettm $0x7FFFFFFF  }
0xc5: {  	_ =	shalt  }
tec
execute0_lowered:
.L_overlay_start_1:
0x0: {  	(tag) =	ssettag $0x1  }
0x1: {  	s0 =	rddreg [dreg:$0x0]  }
0x2: {  	s1 =	rddreg [dreg:$0x1]  }
0x3: {  	s2 =	rddreg [dreg:$0x2]  }
0x4: {  	s3 =	rddreg [dreg:$0x3];
	s4 =	simm.s32 $0x0;
	s7 =	stileid.u32  }
0x5: {  	s9 =	srdreg.scid;
	s28 =	simm.s32 $0x2;
	[smem:$0x7FF] =	sst s4  }
0x6: {  	s6 =	smul.u32 $0xA00, s7;
	s13 =	sadd.s32 $0x29000, s0;
	s5 =	sadd.s32 $0x15600, s0  }
0x7: {  	s23 =	sadd.s32 $0x3D200, s0;
	s24 =	sadd.s32 $0x3CC00, s0;
	s25 =	sadd.s32 $0x3CA00, s0  }
0x8: {  	s14 =	sadd.s32 $0x3E600, s0;
	s15 =	sand.u32 $0x1, s9;
	s16 =	sadd.s32 $0x52200, s0  }
0x9: {  	s12 =	smul.u32 $0x9E00, s7;
	_ =	strace $0x80000047;
	[dreg:$0x5] =	wrdreg s23  }
0xa: {  	s17 =	smul.u32 $0x2780, s7;
	s26 =	sshll.u32 s7, $0x6;
	[dreg:$0x6] =	wrdreg s24  }
0xb: {  	[dreg:$0x7] =	wrdreg s25;
	s9 =	ssub.s32 $0x2, s15;
	p0 =	seq.s32 s15, $0x0  }
0xc: {  	p1 =	sne.s32 s15, $0x0;
	s23 =	simm.s32 $0xBF40;
	s25 =	simm.s32 $0xDE80  }
0xd: {  	s11 =	sadd.s32 s6, s0;
	s0 =	sadd.s32 $0x57200, s0;
	s10 =	sshrl.u32 s9, $0x1  }
0xe: {  	s19 =	sadd.s32 s12, s2;
	s20 =	sadd.s32 s17, s3;
	s21 =	sshrl.u32 s12, $0x3  }
0xf: {  	s17 =	sshrl.u32 s17, $0x3;
	s14 =	smov.u32 @p0 s1;
	s5 =	smov.u32 @p0 s13  }
0x10: {  	s1 =	simm.s32 $0x3;
	s18 =	ssub.s32 s9, s10;
	s9 =	sor.u32 $0x1C04, s26  }
0x11: {  	s29 =	sadd.s32 $0xB600, s11;
	s30 =	sadd.s32 $0x1600, s11;
	s13 =	sadd.s32 s14, s21  }
0x12: {  	s0 =	smov.u32 @p0 s16;
	s15 =	sshrl.u32 s19, $0x3;
	s16 =	simm.s32 $0x4  }
0x13: {  	s19 =	simm.s32 $0x5000;
	s21 =	simm.s32 $0xA000;
	[dreg:$0x8] =	wrdreg s29  }
0x14: {  	s26 =	simm.s32 $0x1;
	[dreg:$0x9] =	wrdreg s30;
	s31 =	smax.u32 s18, $0x1  }
0x15: {  	s14 =	sadd.s32 s0, s17;
	s17 =	sshrl.u32 s20, $0x3;
	s20 =	simm.s32 $0x7D  }
0x16: {  	s0 =	simm.s32 $0xFDC0;
	s18 =	simm.s32 $0x0;
	[dreg:$0xa] =	wrdreg s31  }
.LBB2_1:
0x17: {  	s6 =	rddreg [dreg:$0x5]  }
0x18: {  	[spmem:s15], [sflag:s9] =	dma.local [hbm:s6], $0x13C0  }
0x19: {  	_ =	swait.ge [sflag:s16], $0x13C0  }
0x1a: {  	[sflag:s16] =	ssyncset.done $0x0  }
0x1b: {  	s10 =	rddreg [dreg:$0x6];
	[sflag:s16] =	ssyncadd.s32 $0xFFFFEC40  }
0x1c: {  	[spmem:s17], [sflag:s9] =	dma.local [hbm:s10], $0x4F0  }
0x1d: {  	_ =	swait.ge [sflag:s16], $0x4F0  }
0x1e: {  	[sflag:s16] =	ssyncset.done $0x0  }
0x1f: {  	s7 =	simm.s32 $0x11D00;
	s11 =	rddreg [dreg:$0x7];
	[sflag:s16] =	ssyncadd.s32 $0xFFFFFB10  }
0x20: {  	[tilespmem:s7], [sflag:$0x4] =	stream.linear.gather [hbm4b:s11+s4], $0x7D0, $0x38;
	[tilespmem:$0x1EA50] =	vst v63  }
0x21: {  	_ =	swait.ge [sflag:s16], $0x7D0  }
0x22: {  	[sflag:s16] =	ssyncset.done $0x0  }
0x23: {  	s12 =	rddreg [dreg:$0x8];
	[sflag:s16] =	ssyncadd.s32 $0xFFFFF830  }
0x24: {  	[tilespmem:s4], [sflag:$0x4] =	stream.linear.gather [hbm4b:s12+s4], $0x5000, $0x38;
	[tilespmem:$0x1EA50] =	vst v63  }
0x25: {  	_ =	swait.ge [sflag:s16], $0x5000  }
0x26: {  	[sflag:s16] =	ssyncset.done $0x0  }
0x27: {  	s22 =	rddreg [dreg:$0x9];
	[sflag:s16] =	ssyncadd.s32 $0xFFFFB000  }
0x28: {  	[tilespmem:s19], [sflag:$0x4] =	stream.linear.gather [hbm4b:s22+s4], $0x5000, $0x38;
	[tilespmem:$0x1EA50] =	vst v63  }
0x29: {  	_ =	swait.ge [sflag:s16], $0x5000  }
0x2a: {  	[sflag:s16] =	ssyncset.done $0x0  }
0x2b: {  	[sflag:s16] =	ssyncadd.s32 $0xFFFFB000  }
0x2c: {  	[bflag:$0x0] =	sbarrier.arrive $0xFFFF  }
0x2d: {  	[tilespmem:s21], [sflag:$0x1] =	stream.indirect.gather [hbm4b:s5+s20], $0x40, s4, s20, $0xb8;
	[tilespmem:$0x1EA50] =	vst v63  }
0x2e: {  	s24 =	simm.s32 $0x80  }
0x2f: {  	[tilespmem:s23], [sflag:$0x1] =	stream.indirect.gather [hbm4b:s5+s20], $0x40, s24, s20, $0xb8;
	[tilespmem:$0x1EA50] =	vst v63  }
0x30: {  	s30 =	simm.s32 $0x100  }
0x31: {  	[tilespmem:s25], [sflag:$0x1] =	stream.indirect.gather [hbm4b:s5+s20], $0x40, s30, s20, $0xb8;
	[tilespmem:$0x1EA50] =	vst v63  }
0x32: {  	_ =	swait.ge [sflag:s26], $0x1F40  }
0x33: {  	[sflag:s26] =	ssyncset.done $0x0  }
0x34: {  	s29 =	simm.s32 @p1 $0x7D;
	[sflag:s26] =	ssyncadd.s32 $0xFFFFE0C0  }
0x35: {  	[spmem:s2] =	stream.indirect.scatter.add.f32 [tilespmem:s21], [sflag:$0x2], $0x40, s19, s20, $0xb8;
	[tilespmem:$0x1EA50] =	vst v63  }
0x36: {  	s31 =	simm.s32 @p1 $0x1;
	s22 =	simm.s32 @p1 $0x180;
	s30 =	simm.s32 @p1 $0xFDC0  }
0x37: {  	[tilespmem:s30], [sflag:$0x1] =	stream.indirect.gather @p1 [hbm4b:s5+s29], $0x40, s22, s29, $0xb8;
	[tilespmem:$0x1EA50] =	vst v63  }
0x38: {  	_ =	swait.ge @p1 [sflag:s31], $0x1F40  }
0x39: {  	[sflag:s31] =	ssyncset.done @p1 $0x0  }
0x3a: {  	s6 =	simm.s32 @p1 $0xBF40;
	s22 =	simm.s32 @p1 $0x5080;
	[sflag:s31] =	ssyncadd.s32 @p1 $0xFFFFE0C0  }
0x3b: {  	[spmem:s2] =	stream.indirect.scatter.add.f32 @p1 [tilespmem:s6], [sflag:$0x2], $0x40, s22, s29, $0xb8;
	[tilespmem:$0x1EA50] =	vst v63  }
0x3c: {  	s7 =	simm.s32 @p1 $0x11D00  }
0x3d: {  	[spmem:s3] =	stream.indirect.scatter.add.f32 @p1 [tilespmem:s7], [sflag:$0x3], $0x10, s22, s29, $0xb8;
	[tilespmem:$0x1EA50] =	vst v63  }
0x3e: {  	s8 =	simm.s32 @!p1 $0x5000;
	s24 =	simm.s32 @!p1 $0x11D00;
	s22 =	simm.s32 @!p1 $0x7D  }
0x3f: {  	[spmem:s3] =	stream.indirect.scatter.add.f32 @!p1 [tilespmem:s24], [sflag:$0x3], $0x10, s8, s22, $0xb8;
	[tilespmem:$0x1EA50] =	vst v63  }
0x40: {  	s10 =	simm.s32 @!p1 $0xFDC0;
	s8 =	simm.s32 @!p1 $0x180  }
0x41: {  	[tilespmem:s10], [sflag:$0x1] =	stream.indirect.gather @!p1 [hbm4b:s5+s22], $0x40, s8, s22, $0xb8;
	[tilespmem:$0x1EA50] =	vst v63  }
0x42: {  	s8 =	simm.s32 @!p1 $0x1  }
0x43: {  	_ =	swait.ge @!p1 [sflag:s8], $0x1F40  }
0x44: {  	[sflag:s8] =	ssyncset.done @!p1 $0x0  }
0x45: {  	s11 =	simm.s32 @!p1 $0x5080;
	s12 =	simm.s32 @!p1 $0xBF40;
	[sflag:s8] =	ssyncadd.s32 @!p1 $0xFFFFE0C0  }
0x46: {  	[spmem:s2] =	stream.indirect.scatter.add.f32 @!p1 [tilespmem:s12], [sflag:$0x2], $0x40, s11, s22, $0xb8;
	[tilespmem:$0x1EA50] =	vst v63  }
0x47: {  	_ =	swait.ge [sflag:s28], $0x1F40  }
0x48: {  	[sflag:s28] =	ssyncset.done $0x0  }
0x49: {  	s11 =	simm.s32 $0x200;
	[sflag:s28] =	ssyncadd.s32 $0xFFFFE0C0  }
0x4a: {  	[tilespmem:s21], [sflag:$0x1] =	stream.indirect.gather [hbm4b:s5+s20], $0x40, s11, s20, $0xb8;
	[tilespmem:$0x1EA50] =	vst v63  }
0x4b: {  	_ =	swait.ge [sflag:s26], $0x1F40  }
0x4c: {  	[sflag:s26] =	ssyncset.done $0x0  }
0x4d: {  	s11 =	simm.s32 $0x5100;
	[sflag:s26] =	ssyncadd.s32 $0xFFFFE0C0  }
0x4e: {  	[spmem:s2] =	stream.indirect.scatter.add.f32 [tilespmem:s25], [sflag:$0x2], $0x40, s11, s20, $0xb8;
	[tilespmem:$0x1EA50] =	vst v63  }
0x4f: {  	s11 =	simm.s32 @p1 $0x2  }
0x50: {  	_ =	swait.ge @p1 [sflag:s11], $0x1F40  }
0x51: {  	[sflag:s11] =	ssyncset.done @p1 $0x0  }
0x52: {  	[sflag:s11] =	ssyncadd.s32 @p1 $0xFFFFE0C0;
	s11 =	simm.s32 @p1 $0x280  }
0x53: {  	[tilespmem:s6], [sflag:$0x1] =	stream.indirect.gather @p1 [hbm4b:s5+s29], $0x40, s11, s29, $0xb8;
	[tilespmem:$0x1EA50] =	vst v63  }
0x54: {  	_ =	swait.ge @p1 [sflag:s31], $0x1F40  }
0x55: {  	[sflag:s31] =	ssyncset.done @p1 $0x0  }
0x56: {  	s6 =	simm.s32 @p1 $0x5180;
	[sflag:s31] =	ssyncadd.s32 @p1 $0xFFFFE0C0  }
0x57: {  	[spmem:s2] =	stream.indirect.scatter.add.f32 @p1 [tilespmem:s30], [sflag:$0x2], $0x40, s6, s29, $0xb8;
	[tilespmem:$0x1EA50] =	vst v63  }
0x58: {  	_ = 	snop  }
0x59: {  	[spmem:s3] =	stream.indirect.scatter.add.f32 @p1 [tilespmem:s7], [sflag:$0x3], $0x10, s6, s29, $0xb8;
	[tilespmem:$0x1EA50] =	vst v63  }
0x5a: {  	s6 =	simm.s32 @!p1 $0x5100  }
0x5b: {  	[spmem:s3] =	stream.indirect.scatter.add.f32 @!p1 [tilespmem:s24], [sflag:$0x3], $0x10, s6, s22, $0xb8;
	[tilespmem:$0x1EA50] =	vst v63  }
0x5c: {  	s6 =	simm.s32 @!p1 $0x2  }
0x5d: {  	_ =	swait.ge @!p1 [sflag:s6], $0x1F40  }
0x5e: {  	[sflag:s6] =	ssyncset.done @!p1 $0x0  }
0x5f: {  	[sflag:s6] =	ssyncadd.s32 @!p1 $0xFFFFE0C0;
	s6 =	simm.s32 @!p1 $0x280  }
0x60: {  	[tilespmem:s12], [sflag:$0x1] =	stream.indirect.gather @!p1 [hbm4b:s5+s22], $0x40, s6, s22, $0xb8;
	[tilespmem:$0x1EA50] =	vst v63  }
0x61: {  	_ =	swait.ge @!p1 [sflag:s8], $0x1F40  }
0x62: {  	[sflag:s8] =	ssyncset.done @!p1 $0x0  }
0x63: {  	s6 =	simm.s32 @!p1 $0x5180;
	[sflag:s8] =	ssyncadd.s32 @!p1 $0xFFFFE0C0  }
0x64: {  	[spmem:s2] =	stream.indirect.scatter.add.f32 @!p1 [tilespmem:s10], [sflag:$0x2], $0x40, s6, s22, $0xb8;
	[tilespmem:$0x1EA50] =	vst v63  }
0x65: {  	_ =	swait.ge [sflag:s28], $0x1F40  }
0x66: {  	[sflag:s28] =	ssyncset.done $0x0  }
0x67: {  	s31 =	simm.s32 $0x300;
	s29 =	simm.s32 $0x0;
	[sflag:s28] =	ssyncadd.s32 $0xFFFFE0C0  }
0x68: {  	[tilespmem:s25], [sflag:$0x1] =	stream.indirect.gather [hbm4b:s5+s20], $0x40, s31, s20, $0xb8;
	[tilespmem:$0x1EA50] =	vst v63  }
.LBB2_2:
0x69: {  	_ =	swait.ge [sflag:s26], $0x1F40  }
0x6a: {  	s30 =	sshra.s32 s29, $0x2;
	[sflag:s26] =	ssyncset.done $0x0  }
0x6b: {  	s6 =	sadd.s32 $0x5200, s30;
	[sflag:s26] =	ssyncadd.s32 $0xFFFFE0C0  }
0x6c: {  	[spmem:s2] =	stream.indirect.scatter.add.f32 [tilespmem:s21], [sflag:$0x2], $0x40, s6, s20, $0xb8;
	[tilespmem:$0x1EA50] =	vst v63  }
0x6d: {  	_ = 	snop  }
0x6e: {  	[spmem:s3] =	stream.indirect.scatter.add.f32 @!p1 [tilespmem:s24], [sflag:$0x3], $0x10, s6, s22, $0xb8;
	[tilespmem:$0x1EA50] =	vst v63  }
0x6f: {  	_ =	swait.ge [sflag:s28], $0x1F40  }
0x70: {  	[sflag:s28] =	ssyncset.done $0x0  }
0x71: {  	s31 =	sadd.s32 $0x380, s30;
	[sflag:s28] =	ssyncadd.s32 $0xFFFFE0C0  }
0x72: {  	[tilespmem:s0], [sflag:$0x1] =	stream.indirect.gather [hbm4b:s5+s20], $0x40, s31, s20, $0xb8;
	[tilespmem:$0x1EA50] =	vst v63  }
0x73: {  	_ =	swait.ge [sflag:s26], $0x1F40  }
0x74: {  	[sflag:s26] =	ssyncset.done $0x0  }
0x75: {  	s6 =	sadd.s32 $0x5280, s30;
	[sflag:s26] =	ssyncadd.s32 $0xFFFFE0C0  }
0x76: {  	[spmem:s2] =	stream.indirect.scatter.add.f32 [tilespmem:s23], [sflag:$0x2], $0x40, s6, s20, $0xb8;
	[tilespmem:$0x1EA50] =	vst v63  }
0x77: {  	s7 =	simm.s32 @!p0 $0x7D;
	s8 =	simm.s32 @!p0 $0x11D00  }
0x78: {  	[spmem:s3] =	stream.indirect.scatter.add.f32 @!p0 [tilespmem:s8], [sflag:$0x3], $0x10, s6, s7, $0xb8;
	[tilespmem:$0x1EA50] =	vst v63  }
0x79: {  	p2 =	seq.s32 s29, $0x13000;
	_ =	swait.ge [sflag:s28], $0x1F40  }
0x7a: {  	s11 =	simm.s32 @!p2 $0x7D;
	s6 =	sshra.s32 @!p2 s29, $0x2;
	[sflag:s28] =	ssyncset.done $0x0  }
0x7b: {  	s12 =	simm.s32 @!p2 $0xA000;
	s10 =	sadd.s32 @!p2 $0x400, s6;
	[sflag:s28] =	ssyncadd.s32 $0xFFFFE0C0  }
0x7c: {  	[tilespmem:s12], [sflag:$0x1] =	stream.indirect.gather @!p2 [hbm4b:s5+s11], $0x40, s10, s11, $0xb8;
	[tilespmem:$0x1EA50] =	vst v63  }
0x7d: {  	_ =	swait.ge [sflag:s26], $0x1F40  }
0x7e: {  	[sflag:s26] =	ssyncset.done $0x0  }
0x7f: {  	s10 =	sadd.s32 $0x5300, s30;
	[sflag:s26] =	ssyncadd.s32 $0xFFFFE0C0  }
0x80: {  	[spmem:s2] =	stream.indirect.scatter.add.f32 [tilespmem:s25], [sflag:$0x2], $0x40, s10, s20, $0xb8;
	[tilespmem:$0x1EA50] =	vst v63  }
0x81: {  	_ = 	snop  }
0x82: {  	[spmem:s3] =	stream.indirect.scatter.add.f32 @!p1 [tilespmem:s24], [sflag:$0x3], $0x10, s10, s22, $0xb8;
	[tilespmem:$0x1EA50] =	vst v63  }
0x83: {  	_ =	swait.ge [sflag:s28], $0x1F40  }
0x84: {  	[sflag:s28] =	ssyncset.done $0x0  }
0x85: {  	s6 =	sadd.s32 @!p2 $0x480, s6;
	s10 =	simm.s32 @!p2 $0xBF40;
	[sflag:s28] =	ssyncadd.s32 $0xFFFFE0C0  }
0x86: {  	[tilespmem:s10], [sflag:$0x1] =	stream.indirect.gather @!p2 [hbm4b:s5+s11], $0x40, s6, s11, $0xb8;
	[tilespmem:$0x1EA50] =	vst v63  }
0x87: {  	_ =	swait.ge [sflag:s26], $0x1F40  }
0x88: {  	[sflag:s26] =	ssyncset.done $0x0  }
0x89: {  	s6 =	sadd.s32 $0x5380, s30;
	[sflag:s26] =	ssyncadd.s32 $0xFFFFE0C0  }
0x8a: {  	[spmem:s2] =	stream.indirect.scatter.add.f32 [tilespmem:s0], [sflag:$0x2], $0x40, s6, s20, $0xb8;
	[tilespmem:$0x1EA50] =	vst v63  }
.Ltmp0:
0x8b: {  	_ = 	snop;
	(pc) =	sbr.rel @p2 .LBB2_4-.Ltmp0, $4  }
0x8c: {  	[spmem:s3] =	stream.indirect.scatter.add.f32 @!p0 [tilespmem:s8], [sflag:$0x3], $0x10, s6, s7, $0xb8;
	[tilespmem:$0x1EA50] =	vst v63  }
0x8d: {  	_ =	swait.ge [sflag:s28], $0x1F40  }
0x8e: {  	[sflag:s28] =	ssyncset.done $0x0  }
0x8f: {  	[sflag:s28] =	ssyncadd.s32 $0xFFFFE0C0  }
.Ltmp1:
0x90: {  	(pc) =	sbr.rel .LBB2_2-.Ltmp1, $3  }
0x91: {  	_ =	sdelay $0x1  }
0x92: {  	s6 =	sadd.s32 $0x500, s30;
	s29 =	sadd.s32 $0x800, s29  }
0x93: {  	[tilespmem:s25], [sflag:$0x1] =	stream.indirect.gather [hbm4b:s5+s20], $0x40, s6, s20, $0xb8;
	[tilespmem:$0x1EA50] =	vst v63  }
.LBB2_4:
0x94: {  	_ =	swait.ge [sflag:s28], $0x1F40  }
0x95: {  	[sflag:s28] =	ssyncset.done $0x0  }
0x96: {  	[sflag:s28] =	ssyncadd.s32 $0xFFFFE0C0  }
0x97: {  	_ =	swait.ge [sflag:s1], $0x7D0  }
0x98: {  	s22 =	simm.s32 $0x4F;
	[sflag:s1] =	ssyncset.done $0x0  }
.LBB2_5:
0x99: {  	p2 =	sne.s32 s22, $0x1;
	s22 =	sadd.s32 $0xFFFFFFFF, s22;
	[sflag:s1] =	ssyncadd.s32 $0xFFFFF830  }
.Ltmp2:
0x9a: {  	(pc) =	sbr.rel @p2 .LBB2_5-.Ltmp2, $3  }
0x9b: {  	_ =	sdelay $0x1  }
0x9c: {  	_ =	swait.ge [sflag:s1], $0x7D0  }
0x9d: {  	[sflag:s1] =	ssyncset.done $0x0  }
0x9e: {  	[sflag:s1] =	ssyncadd.s32 $0xFFFFF830  }
0x9f: {  	[bflag:$0x0] =	sbarrier.arrive $0xFFFF  }
0xa0: {  	[hbm:s13], [sflag:s9] =	dma.local [spmem:s15], $0x13C0  }
0xa1: {  	_ =	swait.ge [sflag:s16], $0x13C0  }
0xa2: {  	[sflag:s16] =	ssyncset.done $0x0  }
0xa3: {  	[sflag:s16] =	ssyncadd.s32 $0xFFFFEC40  }
0xa4: {  	[hbm:s14], [sflag:s9] =	dma.local [spmem:s17], $0x4F0  }
0xa5: {  	_ =	swait.ge [sflag:s16], $0x4F0  }
0xa6: {  	s18 =	sadd.s32 $0x1, s18;
	s6 =	rddreg [dreg:$0xa]  }
0xa7: {  	p2 =	sne.s32 s18, s6  }
.Ltmp3:
0xa8: {  	_ = 	snop;
	(pc) =	sbr.rel @p2 .LBB2_1-.Ltmp3, $3  }
0xa9: {  	_ =	sdelay $0x1  }
0xaa: {  	[sflag:s16] =	ssyncset.done $0x0  }
0xab: {  	[sflag:s16] =	ssyncadd.s32 $0xFFFFFB10  }
0xac: {  	_ =	sfence.sel $0x180000  }
0xad: {  	[bflag:$0x0] =	sbarrier.arrive $0xFFFF  }
0xae: {  	_ =	strace $0x90000047  }
0xaf: {  	s0 =	stileid.u32;
	[bflag:$0x2] =	sbarrier.arrive $0xFFFF  }
0xb0: {  	p0 =	sne.s32 s0, $0x0;
	s0 =	rddreg [dreg:$0x4]  }
0xb1: {  	s0 =	sadd.s32 @!p0 $0x100000, s0  }
0xb2: {  	[sflag:s0] =	ssyncadd.tile.s32 @!p0 $0x1;
	_ =	shalt  }
.Lfunc_end2:
_tile_overlayer_lowered:
.L_overlay_start_2:
0xb3: {  	(tag) =	ssettag $0x2  }
0xb4: {  	s0 =	rddreg [dreg:$0x0];
	s2 =	stileid.u32  }
0xb5: {  	s1 =	rddreg [dreg:$0x1];
	p0 =	sne.s32 s2, $0x0  }
0xb6: {  	s3 =	rddreg [dreg:$0x2];
	[bflag:$0x3] =	sbarrier.arrive $0xFFFF;
	s2 =	simm.s32 @!p0 $0x1C04  }
0xb7: {  	[timem:s3], [sflag:s2] =	dma.local @!p0 [hbm:s0], s1  }
0xb8: {  	s0 =	simm.s32 @!p0 $0x4  }
0xb9: {  	_ =	swait.ge @!p0 [sflag:s0], s1  }
0xba: {  	s1 =	ssub.s32 @!p0 $0x0, s1;
	[sflag:s0] =	ssyncset.done @!p0 $0x0  }
0xbb: {  	[sflag:s0] =	ssyncadd.s32 @!p0 s1  }
0xbc: {  	[bflag:$0x3] =	sbarrier.arrive $0xFFFF  }
0xbd: {  	_ =	shalt  }

</sc_bundles>
